<compile_context>
chip_gen: v7x
topology: tpu7x:2x2x1
jax: 0.10.2.dev20260603
libtpu: 0.0.44.dev20260713+nightly
codegen_flags: <defaults>
</compile_context>

<pallas_src>
import functools

import jax
import jax.numpy as jnp
from jax import lax
from jax.experimental import pallas as pl
from jax.experimental.pallas import tpu as pltpu
from jax.experimental.pallas import tpu_sc as plsc

N = 2097152
G = 8192
NC = 2
NS = 16
NW = NC * NS
ELEMS = N // NW
CH = 16384
L = 16


CHL = CH // L


def _sc_body(pred_hbm, count_hbm, groups_hbm, s_out, c_out, d_out,
             p_buf, c_buf, g_buf, s_acc, c_acc, d_buf, sems):
    wid = lax.axis_index("s") * NC + lax.axis_index("c")
    base = wid * ELEMS

    zeros = jnp.zeros((L,), jnp.float32)

    def zero_body(i, carry):
        sl = pl.ds(i * L, L)
        s_acc[sl] = zeros
        c_acc[sl] = zeros
        return carry

    lax.fori_loop(0, G // L, zero_body, 0)

    def start(k, b):
        off = base + k * CH
        sem = sems.at[b]
        return (pltpu.async_copy(pred_hbm.at[pl.ds(off, CH)], p_buf.at[b], sem),
                pltpu.async_copy(count_hbm.at[pl.ds(off, CH)], c_buf.at[b], sem),
                pltpu.async_copy(groups_hbm.at[pl.ds(off, CH)], g_buf.at[b], sem))

    def vec_body_for(b):
        def vec_body(j, carry):
            dot, cur_g, vs, vc = carry
            sl = pl.ds(j * L, L)
            p = p_buf[b, sl]
            c = c_buf[b, sl]
            g = g_buf[b, sl]
            changed = g != cur_g
            plsc.addupdate_scatter(s_acc, [cur_g], vs, mask=changed)
            plsc.addupdate_scatter(c_acc, [cur_g], vc, mask=changed)
            keep = jnp.where(changed, 0.0, 1.0)
            vs = vs * keep + jnp.exp(p)
            vc = vc * keep + c
            return dot + p * c, g, vs, vc
        return vec_body

    inflight = {0: start(0, 0)}
    for d in inflight[0]:
        d.wait()
    cur_g0 = g_buf[0, pl.ds(0, L)]
    carry = (zeros, cur_g0, zeros, zeros)
    for k in range(ELEMS // CH):
        b = k % 2
        if k + 1 < ELEMS // CH:
            inflight[k + 1] = start(k + 1, 1 - b)
        if k > 0:
            for d in inflight[k]:
                d.wait()
        carry = plsc.parallel_loop(0, CH // L, unroll=4, carry=carry)(
            vec_body_for(b))
    dot, cur_g, vs, vc = carry
    plsc.addupdate_scatter(s_acc, [cur_g], vs)
    plsc.addupdate_scatter(c_acc, [cur_g], vc)
    d_buf[...] = dot
    pltpu.sync_copy(s_acc, s_out.at[wid])
    pltpu.sync_copy(c_acc, c_out.at[wid])
    pltpu.sync_copy(d_buf, d_out.at[wid])


_sc_call = functools.partial(
    pl.kernel,
    out_type=(
        jax.ShapeDtypeStruct((NW, G), jnp.float32),
        jax.ShapeDtypeStruct((NW, G), jnp.float32),
        jax.ShapeDtypeStruct((NW, L), jnp.float32),
    ),
    mesh=plsc.VectorSubcoreMesh(core_axis_name="c", subcore_axis_name="s",
                                num_cores=NC, num_subcores=NS),
    compiler_params=pltpu.CompilerParams(needs_layout_passes=False),
    scratch_types=(
        pltpu.VMEM((2, CH), jnp.float32),
        pltpu.VMEM((2, CH), jnp.float32),
        pltpu.VMEM((2, CH), jnp.int32),
        pltpu.VMEM((G,), jnp.float32),
        pltpu.VMEM((G,), jnp.float32),
        pltpu.VMEM((L,), jnp.float32),
        pltpu.SemaphoreType.DMA((2,)),
    ),
)(_sc_body)


def _fin_body(s_ref, c_ref, d_ref, o_ref):
    s = jnp.sum(s_ref[...], axis=0, keepdims=True)
    c = jnp.sum(c_ref[...], axis=0, keepdims=True)
    nonempty = s > 0.0
    term = jnp.where(nonempty, c * jnp.log(jnp.where(nonempty, s, 1.0)), 0.0)
    tot = jnp.sum(term) - jnp.sum(d_ref[...])
    o_ref[...] = jnp.broadcast_to(tot / N, (1, 1))


def kernel(pred, count, groups):
    p = pred.reshape(N)
    c = count.reshape(N)
    s_part, c_part, d_part = _sc_call(p, c, groups)
    out = pl.pallas_call(
        _fin_body,
        out_shape=jax.ShapeDtypeStruct((1, 1), jnp.float32),
    )(s_part, c_part, d_part)
    return out[0, 0]

# --- scband reference (transcript-rebuilt; emitter-appended) ---
"""Pipeline reference for scband-strank-loss-24429773979782 (READ-ONLY COPY).

The authoritative reference and input builder live on the scoring server;
editing this copy changes nothing except your own understanding.
"""

import jax, jax.numpy as jnp
import numpy as np

N = 2097152
G = 8192

def setup_inputs(seed: int = 0):
    key = jax.random.key(seed)
    k1, k2, k3 = jax.random.split(key, 3)
    pred = jax.random.normal(k1, (N, 1), dtype=jnp.float32)
    count = jax.random.uniform(k2, (N, 1), dtype=jnp.float32)
    groups = jnp.sort(jax.random.randint(k3, (N,), 0, G, dtype=jnp.int32))
    return {"pred": pred, "count": count, "groups": groups}

def reference(pred, count, groups):
    # Per-group log-softmax over dim=-2 (the within-group row dim), implemented
    # with segment reductions. Equivalent to the torch loop over unique group
    # ids followed by cat+mean, since mean over the concatenation equals mean
    # over all elements.
    m = jax.ops.segment_max(pred, groups, num_segments=G)
    m = jax.lax.stop_gradient(m)
    shifted = pred - m[groups]
    s = jax.ops.segment_sum(jnp.exp(shifted), groups, num_segments=G)
    lse = m + jnp.log(s)
    logsm = pred - lse[groups]
    loss = -logsm * count
    return jnp.mean(loss)

if __name__ == "__main__":
    import jax
    _d = setup_inputs()
    print(jax.jit(kernel)(*tuple(_d.values())))

</pallas_src>

<mosaic_0001>
#map = affine_map<(d0, d1) -> (0)>
#map1 = affine_map<(d0, d1) -> (0, 0)>
module attributes {stable_mosaic.version = 14 : i64} {
  func.func @_sc_body(%arg0: i32, %arg1: i32, %arg2: memref<2097152xf32, #tpu.memory_space<hbm>>, %arg3: memref<2097152xf32, #tpu.memory_space<hbm>>, %arg4: memref<2097152xi32, #tpu.memory_space<hbm>>, %arg5: memref<32x8192xf32, #tpu.memory_space<hbm>>, %arg6: memref<32x8192xf32, #tpu.memory_space<hbm>>, %arg7: memref<32x16xf32, #tpu.memory_space<hbm>>, %arg8: memref<2x16384xf32, #tpu.memory_space<vmem>>, %arg9: memref<2x16384xf32, #tpu.memory_space<vmem>>, %arg10: memref<2x16384xi32, #tpu.memory_space<vmem>>, %arg11: memref<8192xf32, #tpu.memory_space<vmem>>, %arg12: memref<8192xf32, #tpu.memory_space<vmem>>, %arg13: memref<16xf32, #tpu.memory_space<vmem>>, %arg14: memref<2x!tpu.dma_semaphore, #tpu.memory_space<semaphore_mem>>) attributes {dimension_semantics = [#tpu.dimension_semantics<core_parallel>, #tpu.dimension_semantics<subcore_parallel>], iteration_bounds = array<i64: 2, 16>, scalar_prefetch = 0 : i64, scratch_operands = 7 : i64, tpu.core_type = #tpu.core_type<sc_vector_subcore>, window_params = [{transform_indices = #map}, {transform_indices = #map}, {transform_indices = #map}, {transform_indices = #map1}, {transform_indices = #map1}, {transform_indices = #map1}]} {
    %mul3A = arith.constant 2 : i32
    %mul3A_0 = arith.muli %arg1, %mul3A : i32
    %add3A = arith.addi %mul3A_0, %arg0 : i32
    %mul3A_1 = arith.constant 65536 : i32
    %mul3A_2 = arith.muli %add3A, %mul3A_1 : i32
    %broadcast_in_dim3A = arith.constant 0.000000e+00 : f32
    %broadcast_in_dim3A_3 = vector.broadcast %broadcast_in_dim3A : f32 to vector<16xf32>
    %scan3A = arith.constant 0 : i32
    %scan3A_4 = arith.constant 0 : i32
    %scan3A_5 = arith.constant 512 : i32
    %scan3A_6 = arith.addi %scan3A_4, %scan3A_5 : i32
    %scan3A_7 = arith.constant 1 : i32
    scf.for %scan3A_322 = %scan3A_4 to %scan3A_6 step %scan3A_7  : i32 {
      %mul3A_323 = arith.constant 16 : i32
      %mul3A_324 = arith.muli %scan3A_322, %mul3A_323 : i32
      %swap3A_325 = arith.index_cast %mul3A_324 : i32 to index
      %swap3A_326 = tpu.vector_load %arg11[%swap3A_325] {strides = array<i32>} : memref<8192xf32, #tpu.memory_space<vmem>>, vector<16xf32>,
      tpu.vector_store %arg11[%swap3A_325], %broadcast_in_dim3A_3 {strides = array<i32>} : memref<8192xf32, #tpu.memory_space<vmem>>, vector<16xf32>,
      %swap3A_327 = arith.index_cast %mul3A_324 : i32 to index
      %swap3A_328 = tpu.vector_load %arg12[%swap3A_327] {strides = array<i32>} : memref<8192xf32, #tpu.memory_space<vmem>>, vector<16xf32>,
      tpu.vector_store %arg12[%swap3A_327], %broadcast_in_dim3A_3 {strides = array<i32>} : memref<8192xf32, #tpu.memory_space<vmem>>, vector<16xf32>,
    }
    %scan3A_8 = arith.constant 512 : i32
    %add3A_9 = arith.constant 0 : i32
    %add3A_10 = arith.addi %mul3A_2, %add3A_9 : i32
    %dma_start3A = arith.constant 0 : i32
    %dma_start3A_11 = arith.constant 0 : i32
    %dma_start3A_12 = arith.constant 0 : i32
    %dma_start3A_13 = tpu.memref_slice %arg8[%dma_start3A, %dma_start3A_12] : memref<2x16384xf32, #tpu.memory_space<vmem>> -> memref<1x16384xf32, #tpu.memory_space<vmem>>
    %dma_start3A_14 = tpu.memref_squeeze %dma_start3A_13 : memref<1x16384xf32, #tpu.memory_space<vmem>> -> memref<16384xf32, #tpu.memory_space<vmem>>
    %dma_start3A_15 = tpu.memref_slice %arg2[%add3A_10] : memref<2097152xf32, #tpu.memory_space<hbm>> -> memref<16384xf32, #tpu.memory_space<hbm>>
    %dma_start3A_16 = tpu.memref_slice %arg14[%dma_start3A_11] : memref<2x!tpu.dma_semaphore, #tpu.memory_space<semaphore_mem>> -> memref<1x!tpu.dma_semaphore, #tpu.memory_space<semaphore_mem>>
    %dma_start3A_17 = tpu.memref_squeeze %dma_start3A_16 : memref<1x!tpu.dma_semaphore, #tpu.memory_space<semaphore_mem>> -> memref<!tpu.dma_semaphore, #tpu.memory_space<semaphore_mem>>
    %dma_start3A_18 = arith.constant 0 : i32
    %dma_start3A_19 = tpu.memref_slice %arg8[%dma_start3A, %dma_start3A_18] : memref<2x16384xf32, #tpu.memory_space<vmem>> -> memref<1x16384xf32, #tpu.memory_space<vmem>>
    %dma_start3A_20 = tpu.memref_squeeze %dma_start3A_19 : memref<1x16384xf32, #tpu.memory_space<vmem>> -> memref<16384xf32, #tpu.memory_space<vmem>>
    %dma_start3A_21 = tpu.memref_slice %arg2[%add3A_10] : memref<2097152xf32, #tpu.memory_space<hbm>> -> memref<16384xf32, #tpu.memory_space<hbm>>
    tpu.enqueue_dma source(%dma_start3A_21 : memref<16384xf32, #tpu.memory_space<hbm>>) target(%dma_start3A_20 : memref<16384xf32, #tpu.memory_space<vmem>>) target_semaphore(%dma_start3A_17 : memref<!tpu.dma_semaphore, #tpu.memory_space<semaphore_mem>>)
    %dma_start3A_22 = arith.constant 0 : i32
    %dma_start3A_23 = arith.constant 0 : i32
    %dma_start3A_24 = arith.constant 0 : i32
    %dma_start3A_25 = tpu.memref_slice %arg9[%dma_start3A_22, %dma_start3A_24] : memref<2x16384xf32, #tpu.memory_space<vmem>> -> memref<1x16384xf32, #tpu.memory_space<vmem>>
    %dma_start3A_26 = tpu.memref_squeeze %dma_start3A_25 : memref<1x16384xf32, #tpu.memory_space<vmem>> -> memref<16384xf32, #tpu.memory_space<vmem>>
    %dma_start3A_27 = tpu.memref_slice %arg3[%add3A_10] : memref<2097152xf32, #tpu.memory_space<hbm>> -> memref<16384xf32, #tpu.memory_space<hbm>>
    %dma_start3A_28 = tpu.memref_slice %arg14[%dma_start3A_23] : memref<2x!tpu.dma_semaphore, #tpu.memory_space<semaphore_mem>> -> memref<1x!tpu.dma_semaphore, #tpu.memory_space<semaphore_mem>>
    %dma_start3A_29 = tpu.memref_squeeze %dma_start3A_28 : memref<1x!tpu.dma_semaphore, #tpu.memory_space<semaphore_mem>> -> memref<!tpu.dma_semaphore, #tpu.memory_space<semaphore_mem>>
    %dma_start3A_30 = arith.constant 0 : i32
    %dma_start3A_31 = tpu.memref_slice %arg9[%dma_start3A_22, %dma_start3A_30] : memref<2x16384xf32, #tpu.memory_space<vmem>> -> memref<1x16384xf32, #tpu.memory_space<vmem>>
    %dma_start3A_32 = tpu.memref_squeeze %dma_start3A_31 : memref<1x16384xf32, #tpu.memory_space<vmem>> -> memref<16384xf32, #tpu.memory_space<vmem>>
    %dma_start3A_33 = tpu.memref_slice %arg3[%add3A_10] : memref<2097152xf32, #tpu.memory_space<hbm>> -> memref<16384xf32, #tpu.memory_space<hbm>>
    tpu.enqueue_dma source(%dma_start3A_33 : memref<16384xf32, #tpu.memory_space<hbm>>) target(%dma_start3A_32 : memref<16384xf32, #tpu.memory_space<vmem>>) target_semaphore(%dma_start3A_29 : memref<!tpu.dma_semaphore, #tpu.memory_space<semaphore_mem>>)
    %dma_start3A_34 = arith.constant 0 : i32
    %dma_start3A_35 = arith.constant 0 : i32
    %dma_start3A_36 = arith.constant 0 : i32
    %dma_start3A_37 = tpu.memref_slice %arg10[%dma_start3A_34, %dma_start3A_36] : memref<2x16384xi32, #tpu.memory_space<vmem>> -> memref<1x16384xi32, #tpu.memory_space<vmem>>
    %dma_start3A_38 = tpu.memref_squeeze %dma_start3A_37 : memref<1x16384xi32, #tpu.memory_space<vmem>> -> memref<16384xi32, #tpu.memory_space<vmem>>
    %dma_start3A_39 = tpu.memref_slice %arg4[%add3A_10] : memref<2097152xi32, #tpu.memory_space<hbm>> -> memref<16384xi32, #tpu.memory_space<hbm>>
    %dma_start3A_40 = tpu.memref_slice %arg14[%dma_start3A_35] : memref<2x!tpu.dma_semaphore, #tpu.memory_space<semaphore_mem>> -> memref<1x!tpu.dma_semaphore, #tpu.memory_space<semaphore_mem>>
    %dma_start3A_41 = tpu.memref_squeeze %dma_start3A_40 : memref<1x!tpu.dma_semaphore, #tpu.memory_space<semaphore_mem>> -> memref<!tpu.dma_semaphore, #tpu.memory_space<semaphore_mem>>
    %dma_start3A_42 = arith.constant 0 : i32
    %dma_start3A_43 = tpu.memref_slice %arg10[%dma_start3A_34, %dma_start3A_42] : memref<2x16384xi32, #tpu.memory_space<vmem>> -> memref<1x16384xi32, #tpu.memory_space<vmem>>
    %dma_start3A_44 = tpu.memref_squeeze %dma_start3A_43 : memref<1x16384xi32, #tpu.memory_space<vmem>> -> memref<16384xi32, #tpu.memory_space<vmem>>
    %dma_start3A_45 = tpu.memref_slice %arg4[%add3A_10] : memref<2097152xi32, #tpu.memory_space<hbm>> -> memref<16384xi32, #tpu.memory_space<hbm>>
    tpu.enqueue_dma source(%dma_start3A_45 : memref<16384xi32, #tpu.memory_space<hbm>>) target(%dma_start3A_44 : memref<16384xi32, #tpu.memory_space<vmem>>) target_semaphore(%dma_start3A_41 : memref<!tpu.dma_semaphore, #tpu.memory_space<semaphore_mem>>)
    %dma_wait3A = arith.constant 0 : i32
    %dma_wait3A_46 = arith.constant 0 : i32
    %dma_wait3A_47 = arith.constant 0 : i32
    %dma_wait3A_48 = tpu.memref_slice %arg8[%dma_wait3A, %dma_wait3A_47] : memref<2x16384xf32, #tpu.memory_space<vmem>> -> memref<1x16384xf32, #tpu.memory_space<vmem>>
    %dma_wait3A_49 = tpu.memref_squeeze %dma_wait3A_48 : memref<1x16384xf32, #tpu.memory_space<vmem>> -> memref<16384xf32, #tpu.memory_space<vmem>>
    %dma_wait3A_50 = tpu.memref_slice %arg2[%add3A_10] : memref<2097152xf32, #tpu.memory_space<hbm>> -> memref<16384xf32, #tpu.memory_space<hbm>>
    %dma_wait3A_51 = tpu.memref_slice %arg14[%dma_wait3A_46] : memref<2x!tpu.dma_semaphore, #tpu.memory_space<semaphore_mem>> -> memref<1x!tpu.dma_semaphore, #tpu.memory_space<semaphore_mem>>
    %dma_wait3A_52 = tpu.memref_squeeze %dma_wait3A_51 : memref<1x!tpu.dma_semaphore, #tpu.memory_space<semaphore_mem>> -> memref<!tpu.dma_semaphore, #tpu.memory_space<semaphore_mem>>
    %dma_wait3A_53 = arith.constant 0 : i32
    %dma_wait3A_54 = tpu.memref_slice %arg8[%dma_wait3A, %dma_wait3A_53] : memref<2x16384xf32, #tpu.memory_space<vmem>> -> memref<1x16384xf32, #tpu.memory_space<vmem>>
    %dma_wait3A_55 = tpu.memref_squeeze %dma_wait3A_54 : memref<1x16384xf32, #tpu.memory_space<vmem>> -> memref<16384xf32, #tpu.memory_space<vmem>>
    %dma_wait3A_56 = tpu.memref_slice %arg2[%add3A_10] : memref<2097152xf32, #tpu.memory_space<hbm>> -> memref<16384xf32, #tpu.memory_space<hbm>>
    tpu.wait_dma2 semaphore(%dma_wait3A_52 : memref<!tpu.dma_semaphore, #tpu.memory_space<semaphore_mem>>) src(%dma_wait3A_56 : memref<16384xf32, #tpu.memory_space<hbm>>) dst(%dma_wait3A_55 : memref<16384xf32, #tpu.memory_space<vmem>>)
    %dma_wait3A_57 = arith.constant 0 : i32
    %dma_wait3A_58 = arith.constant 0 : i32
    %dma_wait3A_59 = arith.constant 0 : i32
    %dma_wait3A_60 = tpu.memref_slice %arg9[%dma_wait3A_57, %dma_wait3A_59] : memref<2x16384xf32, #tpu.memory_space<vmem>> -> memref<1x16384xf32, #tpu.memory_space<vmem>>
    %dma_wait3A_61 = tpu.memref_squeeze %dma_wait3A_60 : memref<1x16384xf32, #tpu.memory_space<vmem>> -> memref<16384xf32, #tpu.memory_space<vmem>>
    %dma_wait3A_62 = tpu.memref_slice %arg3[%add3A_10] : memref<2097152xf32, #tpu.memory_space<hbm>> -> memref<16384xf32, #tpu.memory_space<hbm>>
    %dma_wait3A_63 = tpu.memref_slice %arg14[%dma_wait3A_58] : memref<2x!tpu.dma_semaphore, #tpu.memory_space<semaphore_mem>> -> memref<1x!tpu.dma_semaphore, #tpu.memory_space<semaphore_mem>>
    %dma_wait3A_64 = tpu.memref_squeeze %dma_wait3A_63 : memref<1x!tpu.dma_semaphore, #tpu.memory_space<semaphore_mem>> -> memref<!tpu.dma_semaphore, #tpu.memory_space<semaphore_mem>>
    %dma_wait3A_65 = arith.constant 0 : i32
    %dma_wait3A_66 = tpu.memref_slice %arg9[%dma_wait3A_57, %dma_wait3A_65] : memref<2x16384xf32, #tpu.memory_space<vmem>> -> memref<1x16384xf32, #tpu.memory_space<vmem>>
    %dma_wait3A_67 = tpu.memref_squeeze %dma_wait3A_66 : memref<1x16384xf32, #tpu.memory_space<vmem>> -> memref<16384xf32, #tpu.memory_space<vmem>>
    %dma_wait3A_68 = tpu.memref_slice %arg3[%add3A_10] : memref<2097152xf32, #tpu.memory_space<hbm>> -> memref<16384xf32, #tpu.memory_space<hbm>>
    tpu.wait_dma2 semaphore(%dma_wait3A_64 : memref<!tpu.dma_semaphore, #tpu.memory_space<semaphore_mem>>) src(%dma_wait3A_68 : memref<16384xf32, #tpu.memory_space<hbm>>) dst(%dma_wait3A_67 : memref<16384xf32, #tpu.memory_space<vmem>>)
    %dma_wait3A_69 = arith.constant 0 : i32
    %dma_wait3A_70 = arith.constant 0 : i32
    %dma_wait3A_71 = arith.constant 0 : i32
    %dma_wait3A_72 = tpu.memref_slice %arg10[%dma_wait3A_69, %dma_wait3A_71] : memref<2x16384xi32, #tpu.memory_space<vmem>> -> memref<1x16384xi32, #tpu.memory_space<vmem>>
    %dma_wait3A_73 = tpu.memref_squeeze %dma_wait3A_72 : memref<1x16384xi32, #tpu.memory_space<vmem>> -> memref<16384xi32, #tpu.memory_space<vmem>>
    %dma_wait3A_74 = tpu.memref_slice %arg4[%add3A_10] : memref<2097152xi32, #tpu.memory_space<hbm>> -> memref<16384xi32, #tpu.memory_space<hbm>>
    %dma_wait3A_75 = tpu.memref_slice %arg14[%dma_wait3A_70] : memref<2x!tpu.dma_semaphore, #tpu.memory_space<semaphore_mem>> -> memref<1x!tpu.dma_semaphore, #tpu.memory_space<semaphore_mem>>
    %dma_wait3A_76 = tpu.memref_squeeze %dma_wait3A_75 : memref<1x!tpu.dma_semaphore, #tpu.memory_space<semaphore_mem>> -> memref<!tpu.dma_semaphore, #tpu.memory_space<semaphore_mem>>
    %dma_wait3A_77 = arith.constant 0 : i32
    %dma_wait3A_78 = tpu.memref_slice %arg10[%dma_wait3A_69, %dma_wait3A_77] : memref<2x16384xi32, #tpu.memory_space<vmem>> -> memref<1x16384xi32, #tpu.memory_space<vmem>>
    %dma_wait3A_79 = tpu.memref_squeeze %dma_wait3A_78 : memref<1x16384xi32, #tpu.memory_space<vmem>> -> memref<16384xi32, #tpu.memory_space<vmem>>
    %dma_wait3A_80 = tpu.memref_slice %arg4[%add3A_10] : memref<2097152xi32, #tpu.memory_space<hbm>> -> memref<16384xi32, #tpu.memory_space<hbm>>
    tpu.wait_dma2 semaphore(%dma_wait3A_76 : memref<!tpu.dma_semaphore, #tpu.memory_space<semaphore_mem>>) src(%dma_wait3A_80 : memref<16384xi32, #tpu.memory_space<hbm>>) dst(%dma_wait3A_79 : memref<16384xi32, #tpu.memory_space<vmem>>)
    %get3A = arith.constant 0 : i32
    %get3A_81 = arith.index_cast %get3A : i32 to index
    %get3A_82 = arith.constant 0 : index
    %get3A_83 = tpu.vector_load %arg10[%get3A_81, %get3A_82] {strides = array<i32>} : memref<2x16384xi32, #tpu.memory_space<vmem>>, vector<16xi32>,
    %add3A_84 = arith.constant 16384 : i32
    %add3A_85 = arith.addi %mul3A_2, %add3A_84 : i32
    %dma_start3A_86 = arith.constant 1 : i32
    %dma_start3A_87 = arith.constant 1 : i32
    %dma_start3A_88 = arith.constant 0 : i32
    %dma_start3A_89 = tpu.memref_slice %arg8[%dma_start3A_86, %dma_start3A_88] : memref<2x16384xf32, #tpu.memory_space<vmem>> -> memref<1x16384xf32, #tpu.memory_space<vmem>>
    %dma_start3A_90 = tpu.memref_squeeze %dma_start3A_89 : memref<1x16384xf32, #tpu.memory_space<vmem>> -> memref<16384xf32, #tpu.memory_space<vmem>>
    %dma_start3A_91 = tpu.memref_slice %arg2[%add3A_85] : memref<2097152xf32, #tpu.memory_space<hbm>> -> memref<16384xf32, #tpu.memory_space<hbm>>
    %dma_start3A_92 = tpu.memref_slice %arg14[%dma_start3A_87] : memref<2x!tpu.dma_semaphore, #tpu.memory_space<semaphore_mem>> -> memref<1x!tpu.dma_semaphore, #tpu.memory_space<semaphore_mem>>
    %dma_start3A_93 = tpu.memref_squeeze %dma_start3A_92 : memref<1x!tpu.dma_semaphore, #tpu.memory_space<semaphore_mem>> -> memref<!tpu.dma_semaphore, #tpu.memory_space<semaphore_mem>>
    %dma_start3A_94 = arith.constant 0 : i32
    %dma_start3A_95 = tpu.memref_slice %arg8[%dma_start3A_86, %dma_start3A_94] : memref<2x16384xf32, #tpu.memory_space<vmem>> -> memref<1x16384xf32, #tpu.memory_space<vmem>>
    %dma_start3A_96 = tpu.memref_squeeze %dma_start3A_95 : memref<1x16384xf32, #tpu.memory_space<vmem>> -> memref<16384xf32, #tpu.memory_space<vmem>>
    %dma_start3A_97 = tpu.memref_slice %arg2[%add3A_85] : memref<2097152xf32, #tpu.memory_space<hbm>> -> memref<16384xf32, #tpu.memory_space<hbm>>
    tpu.enqueue_dma source(%dma_start3A_97 : memref<16384xf32, #tpu.memory_space<hbm>>) target(%dma_start3A_96 : memref<16384xf32, #tpu.memory_space<vmem>>) target_semaphore(%dma_start3A_93 : memref<!tpu.dma_semaphore, #tpu.memory_space<semaphore_mem>>)
    %dma_start3A_98 = arith.constant 1 : i32
    %dma_start3A_99 = arith.constant 1 : i32
    %dma_start3A_100 = arith.constant 0 : i32
    %dma_start3A_101 = tpu.memref_slice %arg9[%dma_start3A_98, %dma_start3A_100] : memref<2x16384xf32, #tpu.memory_space<vmem>> -> memref<1x16384xf32, #tpu.memory_space<vmem>>
    %dma_start3A_102 = tpu.memref_squeeze %dma_start3A_101 : memref<1x16384xf32, #tpu.memory_space<vmem>> -> memref<16384xf32, #tpu.memory_space<vmem>>
    %dma_start3A_103 = tpu.memref_slice %arg3[%add3A_85] : memref<2097152xf32, #tpu.memory_space<hbm>> -> memref<16384xf32, #tpu.memory_space<hbm>>
    %dma_start3A_104 = tpu.memref_slice %arg14[%dma_start3A_99] : memref<2x!tpu.dma_semaphore, #tpu.memory_space<semaphore_mem>> -> memref<1x!tpu.dma_semaphore, #tpu.memory_space<semaphore_mem>>
    %dma_start3A_105 = tpu.memref_squeeze %dma_start3A_104 : memref<1x!tpu.dma_semaphore, #tpu.memory_space<semaphore_mem>> -> memref<!tpu.dma_semaphore, #tpu.memory_space<semaphore_mem>>
    %dma_start3A_106 = arith.constant 0 : i32
    %dma_start3A_107 = tpu.memref_slice %arg9[%dma_start3A_98, %dma_start3A_106] : memref<2x16384xf32, #tpu.memory_space<vmem>> -> memref<1x16384xf32, #tpu.memory_space<vmem>>
    %dma_start3A_108 = tpu.memref_squeeze %dma_start3A_107 : memref<1x16384xf32, #tpu.memory_space<vmem>> -> memref<16384xf32, #tpu.memory_space<vmem>>
    %dma_start3A_109 = tpu.memref_slice %arg3[%add3A_85] : memref<2097152xf32, #tpu.memory_space<hbm>> -> memref<16384xf32, #tpu.memory_space<hbm>>
    tpu.enqueue_dma source(%dma_start3A_109 : memref<16384xf32, #tpu.memory_space<hbm>>) target(%dma_start3A_108 : memref<16384xf32, #tpu.memory_space<vmem>>) target_semaphore(%dma_start3A_105 : memref<!tpu.dma_semaphore, #tpu.memory_space<semaphore_mem>>)
    %dma_start3A_110 = arith.constant 1 : i32
    %dma_start3A_111 = arith.constant 1 : i32
    %dma_start3A_112 = arith.constant 0 : i32
    %dma_start3A_113 = tpu.memref_slice %arg10[%dma_start3A_110, %dma_start3A_112] : memref<2x16384xi32, #tpu.memory_space<vmem>> -> memref<1x16384xi32, #tpu.memory_space<vmem>>
    %dma_start3A_114 = tpu.memref_squeeze %dma_start3A_113 : memref<1x16384xi32, #tpu.memory_space<vmem>> -> memref<16384xi32, #tpu.memory_space<vmem>>
    %dma_start3A_115 = tpu.memref_slice %arg4[%add3A_85] : memref<2097152xi32, #tpu.memory_space<hbm>> -> memref<16384xi32, #tpu.memory_space<hbm>>
    %dma_start3A_116 = tpu.memref_slice %arg14[%dma_start3A_111] : memref<2x!tpu.dma_semaphore, #tpu.memory_space<semaphore_mem>> -> memref<1x!tpu.dma_semaphore, #tpu.memory_space<semaphore_mem>>
    %dma_start3A_117 = tpu.memref_squeeze %dma_start3A_116 : memref<1x!tpu.dma_semaphore, #tpu.memory_space<semaphore_mem>> -> memref<!tpu.dma_semaphore, #tpu.memory_space<semaphore_mem>>
    %dma_start3A_118 = arith.constant 0 : i32
    %dma_start3A_119 = tpu.memref_slice %arg10[%dma_start3A_110, %dma_start3A_118] : memref<2x16384xi32, #tpu.memory_space<vmem>> -> memref<1x16384xi32, #tpu.memory_space<vmem>>
    %dma_start3A_120 = tpu.memref_squeeze %dma_start3A_119 : memref<1x16384xi32, #tpu.memory_space<vmem>> -> memref<16384xi32, #tpu.memory_space<vmem>>
    %dma_start3A_121 = tpu.memref_slice %arg4[%add3A_85] : memref<2097152xi32, #tpu.memory_space<hbm>> -> memref<16384xi32, #tpu.memory_space<hbm>>
    tpu.enqueue_dma source(%dma_start3A_121 : memref<16384xi32, #tpu.memory_space<hbm>>) target(%dma_start3A_120 : memref<16384xi32, #tpu.memory_space<vmem>>) target_semaphore(%dma_start3A_117 : memref<!tpu.dma_semaphore, #tpu.memory_space<semaphore_mem>>)
    %parallel_loop3A = arith.constant 0 : i32
    %parallel_loop3A_122 = arith.constant 1024 : i32
    %parallel_loop3A_123 = arith.constant 1 : i32
    %parallel_loop3A_124:4 = scf.for %parallel_loop3A_322 = %parallel_loop3A to %parallel_loop3A_122 step %parallel_loop3A_123 iter_args(%parallel_loop3A_323 = %broadcast_in_dim3A_3, %parallel_loop3A_324 = %get3A_83, %parallel_loop3A_325 = %broadcast_in_dim3A_3, %parallel_loop3A_326 = %broadcast_in_dim3A_3) -> (vector<16xf32>, vector<16xi32>, vector<16xf32>, vector<16xf32>)  : i32 {
      %parallel_loop3A_327 = arith.constant 16 : i32
      %parallel_loop3A_328 = arith.muli %parallel_loop3A_322, %parallel_loop3A_327 : i32
      %parallel_loop3A_329 = arith.constant 0 : i32
      %parallel_loop3A_330 = arith.index_cast %parallel_loop3A_329 : i32 to index
      %parallel_loop3A_331 = arith.index_cast %parallel_loop3A_328 : i32 to index
      %parallel_loop3A_332 = tpu.vector_load %arg8[%parallel_loop3A_330, %parallel_loop3A_331] {strides = array<i32>} : memref<2x16384xf32, #tpu.memory_space<vmem>>, vector<16xf32>,
      %parallel_loop3A_333 = arith.constant 0 : i32
      %parallel_loop3A_334 = arith.index_cast %parallel_loop3A_333 : i32 to index
      %parallel_loop3A_335 = arith.index_cast %parallel_loop3A_328 : i32 to index
      %parallel_loop3A_336 = tpu.vector_load %arg9[%parallel_loop3A_334, %parallel_loop3A_335] {strides = array<i32>} : memref<2x16384xf32, #tpu.memory_space<vmem>>, vector<16xf32>,
      %parallel_loop3A_337 = arith.constant 0 : i32
      %parallel_loop3A_338 = arith.index_cast %parallel_loop3A_337 : i32 to index
      %parallel_loop3A_339 = arith.index_cast %parallel_loop3A_328 : i32 to index
      %parallel_loop3A_340 = tpu.vector_load %arg10[%parallel_loop3A_338, %parallel_loop3A_339] {strides = array<i32>} : memref<2x16384xi32, #tpu.memory_space<vmem>>, vector<16xi32>,
      %parallel_loop3A_341 = arith.cmpi ne, %parallel_loop3A_340, %parallel_loop3A_324 : vector<16xi32>
      tpu.vector_store_idx %arg11[%parallel_loop3A_324], %parallel_loop3A_325 masked %parallel_loop3A_341 {add = true} : memref<8192xf32, #tpu.memory_space<vmem>>[vector<16xi32>], vector<16xf32>, vector<16xi1>
      tpu.vector_store_idx %arg12[%parallel_loop3A_324], %parallel_loop3A_326 masked %parallel_loop3A_341 {add = true} : memref<8192xf32, #tpu.memory_space<vmem>>[vector<16xi32>], vector<16xf32>, vector<16xi1>
      %parallel_loop3A_342 = arith.constant 0.000000e+00 : f32
      %parallel_loop3A_343 = arith.constant 1.000000e+00 : f32
      %parallel_loop3A_344 = vector.broadcast %parallel_loop3A_342 : f32 to vector<16xf32>
      %parallel_loop3A_345 = vector.broadcast %parallel_loop3A_343 : f32 to vector<16xf32>
      %parallel_loop3A_346 = arith.select %parallel_loop3A_341, %parallel_loop3A_344, %parallel_loop3A_345 : vector<16xi1>, vector<16xf32>
      %parallel_loop3A_347 = arith.mulf %parallel_loop3A_325, %parallel_loop3A_346 : vector<16xf32>
      %parallel_loop3A_348 = math.exp %parallel_loop3A_332 : vector<16xf32>
      %parallel_loop3A_349 = arith.addf %parallel_loop3A_347, %parallel_loop3A_348 : vector<16xf32>
      %parallel_loop3A_350 = arith.mulf %parallel_loop3A_326, %parallel_loop3A_346 : vector<16xf32>
      %parallel_loop3A_351 = arith.addf %parallel_loop3A_350, %parallel_loop3A_336 : vector<16xf32>
      %parallel_loop3A_352 = arith.mulf %parallel_loop3A_332, %parallel_loop3A_336 : vector<16xf32>
      %parallel_loop3A_353 = arith.addf %parallel_loop3A_323, %parallel_loop3A_352 : vector<16xf32>
      scf.yield %parallel_loop3A_353, %parallel_loop3A_340, %parallel_loop3A_349, %parallel_loop3A_351 : vector<16xf32>, vector<16xi32>, vector<16xf32>, vector<16xf32>
    } {sc.loop_unroll_factor = 4 : i64, sc.parallel_access}
    %add3A_125 = arith.constant 32768 : i32
    %add3A_126 = arith.addi %mul3A_2, %add3A_125 : i32
    %dma_start3A_127 = arith.constant 0 : i32
    %dma_start3A_128 = arith.constant 0 : i32
    %dma_start3A_129 = arith.constant 0 : i32
    %dma_start3A_130 = tpu.memref_slice %arg8[%dma_start3A_127, %dma_start3A_129] : memref<2x16384xf32, #tpu.memory_space<vmem>> -> memref<1x16384xf32, #tpu.memory_space<vmem>>
    %dma_start3A_131 = tpu.memref_squeeze %dma_start3A_130 : memref<1x16384xf32, #tpu.memory_space<vmem>> -> memref<16384xf32, #tpu.memory_space<vmem>>
    %dma_start3A_132 = tpu.memref_slice %arg2[%add3A_126] : memref<2097152xf32, #tpu.memory_space<hbm>> -> memref<16384xf32, #tpu.memory_space<hbm>>
    %dma_start3A_133 = tpu.memref_slice %arg14[%dma_start3A_128] : memref<2x!tpu.dma_semaphore, #tpu.memory_space<semaphore_mem>> -> memref<1x!tpu.dma_semaphore, #tpu.memory_space<semaphore_mem>>
    %dma_start3A_134 = tpu.memref_squeeze %dma_start3A_133 : memref<1x!tpu.dma_semaphore, #tpu.memory_space<semaphore_mem>> -> memref<!tpu.dma_semaphore, #tpu.memory_space<semaphore_mem>>
    %dma_start3A_135 = arith.constant 0 : i32
    %dma_start3A_136 = tpu.memref_slice %arg8[%dma_start3A_127, %dma_start3A_135] : memref<2x16384xf32, #tpu.memory_space<vmem>> -> memref<1x16384xf32, #tpu.memory_space<vmem>>
    %dma_start3A_137 = tpu.memref_squeeze %dma_start3A_136 : memref<1x16384xf32, #tpu.memory_space<vmem>> -> memref<16384xf32, #tpu.memory_space<vmem>>
    %dma_start3A_138 = tpu.memref_slice %arg2[%add3A_126] : memref<2097152xf32, #tpu.memory_space<hbm>> -> memref<16384xf32, #tpu.memory_space<hbm>>
    tpu.enqueue_dma source(%dma_start3A_138 : memref<16384xf32, #tpu.memory_space<hbm>>) target(%dma_start3A_137 : memref<16384xf32, #tpu.memory_space<vmem>>) target_semaphore(%dma_start3A_134 : memref<!tpu.dma_semaphore, #tpu.memory_space<semaphore_mem>>)
    %dma_start3A_139 = arith.constant 0 : i32
    %dma_start3A_140 = arith.constant 0 : i32
    %dma_start3A_141 = arith.constant 0 : i32
    %dma_start3A_142 = tpu.memref_slice %arg9[%dma_start3A_139, %dma_start3A_141] : memref<2x16384xf32, #tpu.memory_space<vmem>> -> memref<1x16384xf32, #tpu.memory_space<vmem>>
    %dma_start3A_143 = tpu.memref_squeeze %dma_start3A_142 : memref<1x16384xf32, #tpu.memory_space<vmem>> -> memref<16384xf32, #tpu.memory_space<vmem>>
    %dma_start3A_144 = tpu.memref_slice %arg3[%add3A_126] : memref<2097152xf32, #tpu.memory_space<hbm>> -> memref<16384xf32, #tpu.memory_space<hbm>>
    %dma_start3A_145 = tpu.memref_slice %arg14[%dma_start3A_140] : memref<2x!tpu.dma_semaphore, #tpu.memory_space<semaphore_mem>> -> memref<1x!tpu.dma_semaphore, #tpu.memory_space<semaphore_mem>>
    %dma_start3A_146 = tpu.memref_squeeze %dma_start3A_145 : memref<1x!tpu.dma_semaphore, #tpu.memory_space<semaphore_mem>> -> memref<!tpu.dma_semaphore, #tpu.memory_space<semaphore_mem>>
    %dma_start3A_147 = arith.constant 0 : i32
    %dma_start3A_148 = tpu.memref_slice %arg9[%dma_start3A_139, %dma_start3A_147] : memref<2x16384xf32, #tpu.memory_space<vmem>> -> memref<1x16384xf32, #tpu.memory_space<vmem>>
    %dma_start3A_149 = tpu.memref_squeeze %dma_start3A_148 : memref<1x16384xf32, #tpu.memory_space<vmem>> -> memref<16384xf32, #tpu.memory_space<vmem>>
    %dma_start3A_150 = tpu.memref_slice %arg3[%add3A_126] : memref<2097152xf32, #tpu.memory_space<hbm>> -> memref<16384xf32, #tpu.memory_space<hbm>>
    tpu.enqueue_dma source(%dma_start3A_150 : memref<16384xf32, #tpu.memory_space<hbm>>) target(%dma_start3A_149 : memref<16384xf32, #tpu.memory_space<vmem>>) target_semaphore(%dma_start3A_146 : memref<!tpu.dma_semaphore, #tpu.memory_space<semaphore_mem>>)
    %dma_start3A_151 = arith.constant 0 : i32
    %dma_start3A_152 = arith.constant 0 : i32
    %dma_start3A_153 = arith.constant 0 : i32
    %dma_start3A_154 = tpu.memref_slice %arg10[%dma_start3A_151, %dma_start3A_153] : memref<2x16384xi32, #tpu.memory_space<vmem>> -> memref<1x16384xi32, #tpu.memory_space<vmem>>
    %dma_start3A_155 = tpu.memref_squeeze %dma_start3A_154 : memref<1x16384xi32, #tpu.memory_space<vmem>> -> memref<16384xi32, #tpu.memory_space<vmem>>
    %dma_start3A_156 = tpu.memref_slice %arg4[%add3A_126] : memref<2097152xi32, #tpu.memory_space<hbm>> -> memref<16384xi32, #tpu.memory_space<hbm>>
    %dma_start3A_157 = tpu.memref_slice %arg14[%dma_start3A_152] : memref<2x!tpu.dma_semaphore, #tpu.memory_space<semaphore_mem>> -> memref<1x!tpu.dma_semaphore, #tpu.memory_space<semaphore_mem>>
    %dma_start3A_158 = tpu.memref_squeeze %dma_start3A_157 : memref<1x!tpu.dma_semaphore, #tpu.memory_space<semaphore_mem>> -> memref<!tpu.dma_semaphore, #tpu.memory_space<semaphore_mem>>
    %dma_start3A_159 = arith.constant 0 : i32
    %dma_start3A_160 = tpu.memref_slice %arg10[%dma_start3A_151, %dma_start3A_159] : memref<2x16384xi32, #tpu.memory_space<vmem>> -> memref<1x16384xi32, #tpu.memory_space<vmem>>
    %dma_start3A_161 = tpu.memref_squeeze %dma_start3A_160 : memref<1x16384xi32, #tpu.memory_space<vmem>> -> memref<16384xi32, #tpu.memory_space<vmem>>
    %dma_start3A_162 = tpu.memref_slice %arg4[%add3A_126] : memref<2097152xi32, #tpu.memory_space<hbm>> -> memref<16384xi32, #tpu.memory_space<hbm>>
    tpu.enqueue_dma source(%dma_start3A_162 : memref<16384xi32, #tpu.memory_space<hbm>>) target(%dma_start3A_161 : memref<16384xi32, #tpu.memory_space<vmem>>) target_semaphore(%dma_start3A_158 : memref<!tpu.dma_semaphore, #tpu.memory_space<semaphore_mem>>)
    %dma_wait3A_163 = arith.constant 1 : i32
    %dma_wait3A_164 = arith.constant 1 : i32
    %dma_wait3A_165 = arith.constant 0 : i32
    %dma_wait3A_166 = tpu.memref_slice %arg8[%dma_wait3A_163, %dma_wait3A_165] : memref<2x16384xf32, #tpu.memory_space<vmem>> -> memref<1x16384xf32, #tpu.memory_space<vmem>>
    %dma_wait3A_167 = tpu.memref_squeeze %dma_wait3A_166 : memref<1x16384xf32, #tpu.memory_space<vmem>> -> memref<16384xf32, #tpu.memory_space<vmem>>
    %dma_wait3A_168 = tpu.memref_slice %arg2[%add3A_85] : memref<2097152xf32, #tpu.memory_space<hbm>> -> memref<16384xf32, #tpu.memory_space<hbm>>
    %dma_wait3A_169 = tpu.memref_slice %arg14[%dma_wait3A_164] : memref<2x!tpu.dma_semaphore, #tpu.memory_space<semaphore_mem>> -> memref<1x!tpu.dma_semaphore, #tpu.memory_space<semaphore_mem>>
    %dma_wait3A_170 = tpu.memref_squeeze %dma_wait3A_169 : memref<1x!tpu.dma_semaphore, #tpu.memory_space<semaphore_mem>> -> memref<!tpu.dma_semaphore, #tpu.memory_space<semaphore_mem>>
    %dma_wait3A_171 = arith.constant 0 : i32
    %dma_wait3A_172 = tpu.memref_slice %arg8[%dma_wait3A_163, %dma_wait3A_171] : memref<2x16384xf32, #tpu.memory_space<vmem>> -> memref<1x16384xf32, #tpu.memory_space<vmem>>
    %dma_wait3A_173 = tpu.memref_squeeze %dma_wait3A_172 : memref<1x16384xf32, #tpu.memory_space<vmem>> -> memref<16384xf32, #tpu.memory_space<vmem>>
    %dma_wait3A_174 = tpu.memref_slice %arg2[%add3A_85] : memref<2097152xf32, #tpu.memory_space<hbm>> -> memref<16384xf32, #tpu.memory_space<hbm>>
    tpu.wait_dma2 semaphore(%dma_wait3A_170 : memref<!tpu.dma_semaphore, #tpu.memory_space<semaphore_mem>>) src(%dma_wait3A_174 : memref<16384xf32, #tpu.memory_space<hbm>>) dst(%dma_wait3A_173 : memref<16384xf32, #tpu.memory_space<vmem>>)
    %dma_wait3A_175 = arith.constant 1 : i32
    %dma_wait3A_176 = arith.constant 1 : i32
    %dma_wait3A_177 = arith.constant 0 : i32
    %dma_wait3A_178 = tpu.memref_slice %arg9[%dma_wait3A_175, %dma_wait3A_177] : memref<2x16384xf32, #tpu.memory_space<vmem>> -> memref<1x16384xf32, #tpu.memory_space<vmem>>
    %dma_wait3A_179 = tpu.memref_squeeze %dma_wait3A_178 : memref<1x16384xf32, #tpu.memory_space<vmem>> -> memref<16384xf32, #tpu.memory_space<vmem>>
    %dma_wait3A_180 = tpu.memref_slice %arg3[%add3A_85] : memref<2097152xf32, #tpu.memory_space<hbm>> -> memref<16384xf32, #tpu.memory_space<hbm>>
    %dma_wait3A_181 = tpu.memref_slice %arg14[%dma_wait3A_176] : memref<2x!tpu.dma_semaphore, #tpu.memory_space<semaphore_mem>> -> memref<1x!tpu.dma_semaphore, #tpu.memory_space<semaphore_mem>>
    %dma_wait3A_182 = tpu.memref_squeeze %dma_wait3A_181 : memref<1x!tpu.dma_semaphore, #tpu.memory_space<semaphore_mem>> -> memref<!tpu.dma_semaphore, #tpu.memory_space<semaphore_mem>>
    %dma_wait3A_183 = arith.constant 0 : i32
    %dma_wait3A_184 = tpu.memref_slice %arg9[%dma_wait3A_175, %dma_wait3A_183] : memref<2x16384xf32, #tpu.memory_space<vmem>> -> memref<1x16384xf32, #tpu.memory_space<vmem>>
    %dma_wait3A_185 = tpu.memref_squeeze %dma_wait3A_184 : memref<1x16384xf32, #tpu.memory_space<vmem>> -> memref<16384xf32, #tpu.memory_space<vmem>>
    %dma_wait3A_186 = tpu.memref_slice %arg3[%add3A_85] : memref<2097152xf32, #tpu.memory_space<hbm>> -> memref<16384xf32, #tpu.memory_space<hbm>>
    tpu.wait_dma2 semaphore(%dma_wait3A_182 : memref<!tpu.dma_semaphore, #tpu.memory_space<semaphore_mem>>) src(%dma_wait3A_186 : memref<16384xf32, #tpu.memory_space<hbm>>) dst(%dma_wait3A_185 : memref<16384xf32, #tpu.memory_space<vmem>>)
    %dma_wait3A_187 = arith.constant 1 : i32
    %dma_wait3A_188 = arith.constant 1 : i32
    %dma_wait3A_189 = arith.constant 0 : i32
    %dma_wait3A_190 = tpu.memref_slice %arg10[%dma_wait3A_187, %dma_wait3A_189] : memref<2x16384xi32, #tpu.memory_space<vmem>> -> memref<1x16384xi32, #tpu.memory_space<vmem>>
    %dma_wait3A_191 = tpu.memref_squeeze %dma_wait3A_190 : memref<1x16384xi32, #tpu.memory_space<vmem>> -> memref<16384xi32, #tpu.memory_space<vmem>>
    %dma_wait3A_192 = tpu.memref_slice %arg4[%add3A_85] : memref<2097152xi32, #tpu.memory_space<hbm>> -> memref<16384xi32, #tpu.memory_space<hbm>>
    %dma_wait3A_193 = tpu.memref_slice %arg14[%dma_wait3A_188] : memref<2x!tpu.dma_semaphore, #tpu.memory_space<semaphore_mem>> -> memref<1x!tpu.dma_semaphore, #tpu.memory_space<semaphore_mem>>
    %dma_wait3A_194 = tpu.memref_squeeze %dma_wait3A_193 : memref<1x!tpu.dma_semaphore, #tpu.memory_space<semaphore_mem>> -> memref<!tpu.dma_semaphore, #tpu.memory_space<semaphore_mem>>
    %dma_wait3A_195 = arith.constant 0 : i32
    %dma_wait3A_196 = tpu.memref_slice %arg10[%dma_wait3A_187, %dma_wait3A_195] : memref<2x16384xi32, #tpu.memory_space<vmem>> -> memref<1x16384xi32, #tpu.memory_space<vmem>>
    %dma_wait3A_197 = tpu.memref_squeeze %dma_wait3A_196 : memref<1x16384xi32, #tpu.memory_space<vmem>> -> memref<16384xi32, #tpu.memory_space<vmem>>
    %dma_wait3A_198 = tpu.memref_slice %arg4[%add3A_85] : memref<2097152xi32, #tpu.memory_space<hbm>> -> memref<16384xi32, #tpu.memory_space<hbm>>
    tpu.wait_dma2 semaphore(%dma_wait3A_194 : memref<!tpu.dma_semaphore, #tpu.memory_space<semaphore_mem>>) src(%dma_wait3A_198 : memref<16384xi32, #tpu.memory_space<hbm>>) dst(%dma_wait3A_197 : memref<16384xi32, #tpu.memory_space<vmem>>)
    %parallel_loop3A_199 = arith.constant 0 : i32
    %parallel_loop3A_200 = arith.constant 1024 : i32
    %parallel_loop3A_201 = arith.constant 1 : i32
    %parallel_loop3A_202:4 = scf.for %parallel_loop3A_322 = %parallel_loop3A_199 to %parallel_loop3A_200 step %parallel_loop3A_201 iter_args(%parallel_loop3A_323 = %parallel_loop3A_124#0, %parallel_loop3A_324 = %parallel_loop3A_124#1, %parallel_loop3A_325 = %parallel_loop3A_124#2, %parallel_loop3A_326 = %parallel_loop3A_124#3) -> (vector<16xf32>, vector<16xi32>, vector<16xf32>, vector<16xf32>)  : i32 {
      %parallel_loop3A_327 = arith.constant 16 : i32
      %parallel_loop3A_328 = arith.muli %parallel_loop3A_322, %parallel_loop3A_327 : i32
      %parallel_loop3A_329 = arith.constant 1 : i32
      %parallel_loop3A_330 = arith.index_cast %parallel_loop3A_329 : i32 to index
      %parallel_loop3A_331 = arith.index_cast %parallel_loop3A_328 : i32 to index
      %parallel_loop3A_332 = tpu.vector_load %arg8[%parallel_loop3A_330, %parallel_loop3A_331] {strides = array<i32>} : memref<2x16384xf32, #tpu.memory_space<vmem>>, vector<16xf32>,
      %parallel_loop3A_333 = arith.constant 1 : i32
      %parallel_loop3A_334 = arith.index_cast %parallel_loop3A_333 : i32 to index
      %parallel_loop3A_335 = arith.index_cast %parallel_loop3A_328 : i32 to index
      %parallel_loop3A_336 = tpu.vector_load %arg9[%parallel_loop3A_334, %parallel_loop3A_335] {strides = array<i32>} : memref<2x16384xf32, #tpu.memory_space<vmem>>, vector<16xf32>,
      %parallel_loop3A_337 = arith.constant 1 : i32
      %parallel_loop3A_338 = arith.index_cast %parallel_loop3A_337 : i32 to index
      %parallel_loop3A_339 = arith.index_cast %parallel_loop3A_328 : i32 to index
      %parallel_loop3A_340 = tpu.vector_load %arg10[%parallel_loop3A_338, %parallel_loop3A_339] {strides = array<i32>} : memref<2x16384xi32, #tpu.memory_space<vmem>>, vector<16xi32>,
      %parallel_loop3A_341 = arith.cmpi ne, %parallel_loop3A_340, %parallel_loop3A_324 : vector<16xi32>
      tpu.vector_store_idx %arg11[%parallel_loop3A_324], %parallel_loop3A_325 masked %parallel_loop3A_341 {add = true} : memref<8192xf32, #tpu.memory_space<vmem>>[vector<16xi32>], vector<16xf32>, vector<16xi1>
      tpu.vector_store_idx %arg12[%parallel_loop3A_324], %parallel_loop3A_326 masked %parallel_loop3A_341 {add = true} : memref<8192xf32, #tpu.memory_space<vmem>>[vector<16xi32>], vector<16xf32>, vector<16xi1>
      %parallel_loop3A_342 = arith.constant 0.000000e+00 : f32
      %parallel_loop3A_343 = arith.constant 1.000000e+00 : f32
      %parallel_loop3A_344 = vector.broadcast %parallel_loop3A_342 : f32 to vector<16xf32>
      %parallel_loop3A_345 = vector.broadcast %parallel_loop3A_343 : f32 to vector<16xf32>
      %parallel_loop3A_346 = arith.select %parallel_loop3A_341, %parallel_loop3A_344, %parallel_loop3A_345 : vector<16xi1>, vector<16xf32>
      %parallel_loop3A_347 = arith.mulf %parallel_loop3A_325, %parallel_loop3A_346 : vector<16xf32>
      %parallel_loop3A_348 = math.exp %parallel_loop3A_332 : vector<16xf32>
      %parallel_loop3A_349 = arith.addf %parallel_loop3A_347, %parallel_loop3A_348 : vector<16xf32>
      %parallel_loop3A_350 = arith.mulf %parallel_loop3A_326, %parallel_loop3A_346 : vector<16xf32>
      %parallel_loop3A_351 = arith.addf %parallel_loop3A_350, %parallel_loop3A_336 : vector<16xf32>
      %parallel_loop3A_352 = arith.mulf %parallel_loop3A_332, %parallel_loop3A_336 : vector<16xf32>
      %parallel_loop3A_353 = arith.addf %parallel_loop3A_323, %parallel_loop3A_352 : vector<16xf32>
      scf.yield %parallel_loop3A_353, %parallel_loop3A_340, %parallel_loop3A_349, %parallel_loop3A_351 : vector<16xf32>, vector<16xi32>, vector<16xf32>, vector<16xf32>
    } {sc.loop_unroll_factor = 4 : i64, sc.parallel_access}
    %add3A_203 = arith.constant 49152 : i32
    %add3A_204 = arith.addi %mul3A_2, %add3A_203 : i32
    %dma_start3A_205 = arith.constant 1 : i32
    %dma_start3A_206 = arith.constant 1 : i32
    %dma_start3A_207 = arith.constant 0 : i32
    %dma_start3A_208 = tpu.memref_slice %arg8[%dma_start3A_205, %dma_start3A_207] : memref<2x16384xf32, #tpu.memory_space<vmem>> -> memref<1x16384xf32, #tpu.memory_space<vmem>>
    %dma_start3A_209 = tpu.memref_squeeze %dma_start3A_208 : memref<1x16384xf32, #tpu.memory_space<vmem>> -> memref<16384xf32, #tpu.memory_space<vmem>>
    %dma_start3A_210 = tpu.memref_slice %arg2[%add3A_204] : memref<2097152xf32, #tpu.memory_space<hbm>> -> memref<16384xf32, #tpu.memory_space<hbm>>
    %dma_start3A_211 = tpu.memref_slice %arg14[%dma_start3A_206] : memref<2x!tpu.dma_semaphore, #tpu.memory_space<semaphore_mem>> -> memref<1x!tpu.dma_semaphore, #tpu.memory_space<semaphore_mem>>
    %dma_start3A_212 = tpu.memref_squeeze %dma_start3A_211 : memref<1x!tpu.dma_semaphore, #tpu.memory_space<semaphore_mem>> -> memref<!tpu.dma_semaphore, #tpu.memory_space<semaphore_mem>>
    %dma_start3A_213 = arith.constant 0 : i32
    %dma_start3A_214 = tpu.memref_slice %arg8[%dma_start3A_205, %dma_start3A_213] : memref<2x16384xf32, #tpu.memory_space<vmem>> -> memref<1x16384xf32, #tpu.memory_space<vmem>>
    %dma_start3A_215 = tpu.memref_squeeze %dma_start3A_214 : memref<1x16384xf32, #tpu.memory_space<vmem>> -> memref<16384xf32, #tpu.memory_space<vmem>>
    %dma_start3A_216 = tpu.memref_slice %arg2[%add3A_204] : memref<2097152xf32, #tpu.memory_space<hbm>> -> memref<16384xf32, #tpu.memory_space<hbm>>
    tpu.enqueue_dma source(%dma_start3A_216 : memref<16384xf32, #tpu.memory_space<hbm>>) target(%dma_start3A_215 : memref<16384xf32, #tpu.memory_space<vmem>>) target_semaphore(%dma_start3A_212 : memref<!tpu.dma_semaphore, #tpu.memory_space<semaphore_mem>>)
    %dma_start3A_217 = arith.constant 1 : i32
    %dma_start3A_218 = arith.constant 1 : i32
    %dma_start3A_219 = arith.constant 0 : i32
    %dma_start3A_220 = tpu.memref_slice %arg9[%dma_start3A_217, %dma_start3A_219] : memref<2x16384xf32, #tpu.memory_space<vmem>> -> memref<1x16384xf32, #tpu.memory_space<vmem>>
    %dma_start3A_221 = tpu.memref_squeeze %dma_start3A_220 : memref<1x16384xf32, #tpu.memory_space<vmem>> -> memref<16384xf32, #tpu.memory_space<vmem>>
    %dma_start3A_222 = tpu.memref_slice %arg3[%add3A_204] : memref<2097152xf32, #tpu.memory_space<hbm>> -> memref<16384xf32, #tpu.memory_space<hbm>>
    %dma_start3A_223 = tpu.memref_slice %arg14[%dma_start3A_218] : memref<2x!tpu.dma_semaphore, #tpu.memory_space<semaphore_mem>> -> memref<1x!tpu.dma_semaphore, #tpu.memory_space<semaphore_mem>>
    %dma_start3A_224 = tpu.memref_squeeze %dma_start3A_223 : memref<1x!tpu.dma_semaphore, #tpu.memory_space<semaphore_mem>> -> memref<!tpu.dma_semaphore, #tpu.memory_space<semaphore_mem>>
    %dma_start3A_225 = arith.constant 0 : i32
    %dma_start3A_226 = tpu.memref_slice %arg9[%dma_start3A_217, %dma_start3A_225] : memref<2x16384xf32, #tpu.memory_space<vmem>> -> memref<1x16384xf32, #tpu.memory_space<vmem>>
    %dma_start3A_227 = tpu.memref_squeeze %dma_start3A_226 : memref<1x16384xf32, #tpu.memory_space<vmem>> -> memref<16384xf32, #tpu.memory_space<vmem>>
    %dma_start3A_228 = tpu.memref_slice %arg3[%add3A_204] : memref<2097152xf32, #tpu.memory_space<hbm>> -> memref<16384xf32, #tpu.memory_space<hbm>>
    tpu.enqueue_dma source(%dma_start3A_228 : memref<16384xf32, #tpu.memory_space<hbm>>) target(%dma_start3A_227 : memref<16384xf32, #tpu.memory_space<vmem>>) target_semaphore(%dma_start3A_224 : memref<!tpu.dma_semaphore, #tpu.memory_space<semaphore_mem>>)
    %dma_start3A_229 = arith.constant 1 : i32
    %dma_start3A_230 = arith.constant 1 : i32
    %dma_start3A_231 = arith.constant 0 : i32
    %dma_start3A_232 = tpu.memref_slice %arg10[%dma_start3A_229, %dma_start3A_231] : memref<2x16384xi32, #tpu.memory_space<vmem>> -> memref<1x16384xi32, #tpu.memory_space<vmem>>
    %dma_start3A_233 = tpu.memref_squeeze %dma_start3A_232 : memref<1x16384xi32, #tpu.memory_space<vmem>> -> memref<16384xi32, #tpu.memory_space<vmem>>
    %dma_start3A_234 = tpu.memref_slice %arg4[%add3A_204] : memref<2097152xi32, #tpu.memory_space<hbm>> -> memref<16384xi32, #tpu.memory_space<hbm>>
    %dma_start3A_235 = tpu.memref_slice %arg14[%dma_start3A_230] : memref<2x!tpu.dma_semaphore, #tpu.memory_space<semaphore_mem>> -> memref<1x!tpu.dma_semaphore, #tpu.memory_space<semaphore_mem>>
    %dma_start3A_236 = tpu.memref_squeeze %dma_start3A_235 : memref<1x!tpu.dma_semaphore, #tpu.memory_space<semaphore_mem>> -> memref<!tpu.dma_semaphore, #tpu.memory_space<semaphore_mem>>
    %dma_start3A_237 = arith.constant 0 : i32
    %dma_start3A_238 = tpu.memref_slice %arg10[%dma_start3A_229, %dma_start3A_237] : memref<2x16384xi32, #tpu.memory_space<vmem>> -> memref<1x16384xi32, #tpu.memory_space<vmem>>
    %dma_start3A_239 = tpu.memref_squeeze %dma_start3A_238 : memref<1x16384xi32, #tpu.memory_space<vmem>> -> memref<16384xi32, #tpu.memory_space<vmem>>
    %dma_start3A_240 = tpu.memref_slice %arg4[%add3A_204] : memref<2097152xi32, #tpu.memory_space<hbm>> -> memref<16384xi32, #tpu.memory_space<hbm>>
    tpu.enqueue_dma source(%dma_start3A_240 : memref<16384xi32, #tpu.memory_space<hbm>>) target(%dma_start3A_239 : memref<16384xi32, #tpu.memory_space<vmem>>) target_semaphore(%dma_start3A_236 : memref<!tpu.dma_semaphore, #tpu.memory_space<semaphore_mem>>)
    %dma_wait3A_241 = arith.constant 0 : i32
    %dma_wait3A_242 = arith.constant 0 : i32
    %dma_wait3A_243 = arith.constant 0 : i32
    %dma_wait3A_244 = tpu.memref_slice %arg8[%dma_wait3A_241, %dma_wait3A_243] : memref<2x16384xf32, #tpu.memory_space<vmem>> -> memref<1x16384xf32, #tpu.memory_space<vmem>>
    %dma_wait3A_245 = tpu.memref_squeeze %dma_wait3A_244 : memref<1x16384xf32, #tpu.memory_space<vmem>> -> memref<16384xf32, #tpu.memory_space<vmem>>
    %dma_wait3A_246 = tpu.memref_slice %arg2[%add3A_126] : memref<2097152xf32, #tpu.memory_space<hbm>> -> memref<16384xf32, #tpu.memory_space<hbm>>
    %dma_wait3A_247 = tpu.memref_slice %arg14[%dma_wait3A_242] : memref<2x!tpu.dma_semaphore, #tpu.memory_space<semaphore_mem>> -> memref<1x!tpu.dma_semaphore, #tpu.memory_space<semaphore_mem>>
    %dma_wait3A_248 = tpu.memref_squeeze %dma_wait3A_247 : memref<1x!tpu.dma_semaphore, #tpu.memory_space<semaphore_mem>> -> memref<!tpu.dma_semaphore, #tpu.memory_space<semaphore_mem>>
    %dma_wait3A_249 = arith.constant 0 : i32
    %dma_wait3A_250 = tpu.memref_slice %arg8[%dma_wait3A_241, %dma_wait3A_249] : memref<2x16384xf32, #tpu.memory_space<vmem>> -> memref<1x16384xf32, #tpu.memory_space<vmem>>
    %dma_wait3A_251 = tpu.memref_squeeze %dma_wait3A_250 : memref<1x16384xf32, #tpu.memory_space<vmem>> -> memref<16384xf32, #tpu.memory_space<vmem>>
    %dma_wait3A_252 = tpu.memref_slice %arg2[%add3A_126] : memref<2097152xf32, #tpu.memory_space<hbm>> -> memref<16384xf32, #tpu.memory_space<hbm>>
    tpu.wait_dma2 semaphore(%dma_wait3A_248 : memref<!tpu.dma_semaphore, #tpu.memory_space<semaphore_mem>>) src(%dma_wait3A_252 : memref<16384xf32, #tpu.memory_space<hbm>>) dst(%dma_wait3A_251 : memref<16384xf32, #tpu.memory_space<vmem>>)
    %dma_wait3A_253 = arith.constant 0 : i32
    %dma_wait3A_254 = arith.constant 0 : i32
    %dma_wait3A_255 = arith.constant 0 : i32
    %dma_wait3A_256 = tpu.memref_slice %arg9[%dma_wait3A_253, %dma_wait3A_255] : memref<2x16384xf32, #tpu.memory_space<vmem>> -> memref<1x16384xf32, #tpu.memory_space<vmem>>
    %dma_wait3A_257 = tpu.memref_squeeze %dma_wait3A_256 : memref<1x16384xf32, #tpu.memory_space<vmem>> -> memref<16384xf32, #tpu.memory_space<vmem>>
    %dma_wait3A_258 = tpu.memref_slice %arg3[%add3A_126] : memref<2097152xf32, #tpu.memory_space<hbm>> -> memref<16384xf32, #tpu.memory_space<hbm>>
    %dma_wait3A_259 = tpu.memref_slice %arg14[%dma_wait3A_254] : memref<2x!tpu.dma_semaphore, #tpu.memory_space<semaphore_mem>> -> memref<1x!tpu.dma_semaphore, #tpu.memory_space<semaphore_mem>>
    %dma_wait3A_260 = tpu.memref_squeeze %dma_wait3A_259 : memref<1x!tpu.dma_semaphore, #tpu.memory_space<semaphore_mem>> -> memref<!tpu.dma_semaphore, #tpu.memory_space<semaphore_mem>>
    %dma_wait3A_261 = arith.constant 0 : i32
    %dma_wait3A_262 = tpu.memref_slice %arg9[%dma_wait3A_253, %dma_wait3A_261] : memref<2x16384xf32, #tpu.memory_space<vmem>> -> memref<1x16384xf32, #tpu.memory_space<vmem>>
    %dma_wait3A_263 = tpu.memref_squeeze %dma_wait3A_262 : memref<1x16384xf32, #tpu.memory_space<vmem>> -> memref<16384xf32, #tpu.memory_space<vmem>>
    %dma_wait3A_264 = tpu.memref_slice %arg3[%add3A_126] : memref<2097152xf32, #tpu.memory_space<hbm>> -> memref<16384xf32, #tpu.memory_space<hbm>>
    tpu.wait_dma2 semaphore(%dma_wait3A_260 : memref<!tpu.dma_semaphore, #tpu.memory_space<semaphore_mem>>) src(%dma_wait3A_264 : memref<16384xf32, #tpu.memory_space<hbm>>) dst(%dma_wait3A_263 : memref<16384xf32, #tpu.memory_space<vmem>>)
    %dma_wait3A_265 = arith.constant 0 : i32
    %dma_wait3A_266 = arith.constant 0 : i32
    %dma_wait3A_267 = arith.constant 0 : i32
    %dma_wait3A_268 = tpu.memref_slice %arg10[%dma_wait3A_265, %dma_wait3A_267] : memref<2x16384xi32, #tpu.memory_space<vmem>> -> memref<1x16384xi32, #tpu.memory_space<vmem>>
    %dma_wait3A_269 = tpu.memref_squeeze %dma_wait3A_268 : memref<1x16384xi32, #tpu.memory_space<vmem>> -> memref<16384xi32, #tpu.memory_space<vmem>>
    %dma_wait3A_270 = tpu.memref_slice %arg4[%add3A_126] : memref<2097152xi32, #tpu.memory_space<hbm>> -> memref<16384xi32, #tpu.memory_space<hbm>>
    %dma_wait3A_271 = tpu.memref_slice %arg14[%dma_wait3A_266] : memref<2x!tpu.dma_semaphore, #tpu.memory_space<semaphore_mem>> -> memref<1x!tpu.dma_semaphore, #tpu.memory_space<semaphore_mem>>
    %dma_wait3A_272 = tpu.memref_squeeze %dma_wait3A_271 : memref<1x!tpu.dma_semaphore, #tpu.memory_space<semaphore_mem>> -> memref<!tpu.dma_semaphore, #tpu.memory_space<semaphore_mem>>
    %dma_wait3A_273 = arith.constant 0 : i32
    %dma_wait3A_274 = tpu.memref_slice %arg10[%dma_wait3A_265, %dma_wait3A_273] : memref<2x16384xi32, #tpu.memory_space<vmem>> -> memref<1x16384xi32, #tpu.memory_space<vmem>>
    %dma_wait3A_275 = tpu.memref_squeeze %dma_wait3A_274 : memref<1x16384xi32, #tpu.memory_space<vmem>> -> memref<16384xi32, #tpu.memory_space<vmem>>
    %dma_wait3A_276 = tpu.memref_slice %arg4[%add3A_126] : memref<2097152xi32, #tpu.memory_space<hbm>> -> memref<16384xi32, #tpu.memory_space<hbm>>
    tpu.wait_dma2 semaphore(%dma_wait3A_272 : memref<!tpu.dma_semaphore, #tpu.memory_space<semaphore_mem>>) src(%dma_wait3A_276 : memref<16384xi32, #tpu.memory_space<hbm>>) dst(%dma_wait3A_275 : memref<16384xi32, #tpu.memory_space<vmem>>)
    %parallel_loop3A_277 = arith.constant 0 : i32
    %parallel_loop3A_278 = arith.constant 1024 : i32
    %parallel_loop3A_279 = arith.constant 1 : i32
    %parallel_loop3A_280:4 = scf.for %parallel_loop3A_322 = %parallel_loop3A_277 to %parallel_loop3A_278 step %parallel_loop3A_279 iter_args(%parallel_loop3A_323 = %parallel_loop3A_202#0, %parallel_loop3A_324 = %parallel_loop3A_202#1, %parallel_loop3A_325 = %parallel_loop3A_202#2, %parallel_loop3A_326 = %parallel_loop3A_202#3) -> (vector<16xf32>, vector<16xi32>, vector<16xf32>, vector<16xf32>)  : i32 {
      %parallel_loop3A_327 = arith.constant 16 : i32
      %parallel_loop3A_328 = arith.muli %parallel_loop3A_322, %parallel_loop3A_327 : i32
      %parallel_loop3A_329 = arith.constant 0 : i32
      %parallel_loop3A_330 = arith.index_cast %parallel_loop3A_329 : i32 to index
      %parallel_loop3A_331 = arith.index_cast %parallel_loop3A_328 : i32 to index
      %parallel_loop3A_332 = tpu.vector_load %arg8[%parallel_loop3A_330, %parallel_loop3A_331] {strides = array<i32>} : memref<2x16384xf32, #tpu.memory_space<vmem>>, vector<16xf32>,
      %parallel_loop3A_333 = arith.constant 0 : i32
      %parallel_loop3A_334 = arith.index_cast %parallel_loop3A_333 : i32 to index
      %parallel_loop3A_335 = arith.index_cast %parallel_loop3A_328 : i32 to index
      %parallel_loop3A_336 = tpu.vector_load %arg9[%parallel_loop3A_334, %parallel_loop3A_335] {strides = array<i32>} : memref<2x16384xf32, #tpu.memory_space<vmem>>, vector<16xf32>,
      %parallel_loop3A_337 = arith.constant 0 : i32
      %parallel_loop3A_338 = arith.index_cast %parallel_loop3A_337 : i32 to index
      %parallel_loop3A_339 = arith.index_cast %parallel_loop3A_328 : i32 to index
      %parallel_loop3A_340 = tpu.vector_load %arg10[%parallel_loop3A_338, %parallel_loop3A_339] {strides = array<i32>} : memref<2x16384xi32, #tpu.memory_space<vmem>>, vector<16xi32>,
      %parallel_loop3A_341 = arith.cmpi ne, %parallel_loop3A_340, %parallel_loop3A_324 : vector<16xi32>
      tpu.vector_store_idx %arg11[%parallel_loop3A_324], %parallel_loop3A_325 masked %parallel_loop3A_341 {add = true} : memref<8192xf32, #tpu.memory_space<vmem>>[vector<16xi32>], vector<16xf32>, vector<16xi1>
      tpu.vector_store_idx %arg12[%parallel_loop3A_324], %parallel_loop3A_326 masked %parallel_loop3A_341 {add = true} : memref<8192xf32, #tpu.memory_space<vmem>>[vector<16xi32>], vector<16xf32>, vector<16xi1>
      %parallel_loop3A_342 = arith.constant 0.000000e+00 : f32
      %parallel_loop3A_343 = arith.constant 1.000000e+00 : f32
      %parallel_loop3A_344 = vector.broadcast %parallel_loop3A_342 : f32 to vector<16xf32>
      %parallel_loop3A_345 = vector.broadcast %parallel_loop3A_343 : f32 to vector<16xf32>
      %parallel_loop3A_346 = arith.select %parallel_loop3A_341, %parallel_loop3A_344, %parallel_loop3A_345 : vector<16xi1>, vector<16xf32>
      %parallel_loop3A_347 = arith.mulf %parallel_loop3A_325, %parallel_loop3A_346 : vector<16xf32>
      %parallel_loop3A_348 = math.exp %parallel_loop3A_332 : vector<16xf32>
      %parallel_loop3A_349 = arith.addf %parallel_loop3A_347, %parallel_loop3A_348 : vector<16xf32>
      %parallel_loop3A_350 = arith.mulf %parallel_loop3A_326, %parallel_loop3A_346 : vector<16xf32>
      %parallel_loop3A_351 = arith.addf %parallel_loop3A_350, %parallel_loop3A_336 : vector<16xf32>
      %parallel_loop3A_352 = arith.mulf %parallel_loop3A_332, %parallel_loop3A_336 : vector<16xf32>
      %parallel_loop3A_353 = arith.addf %parallel_loop3A_323, %parallel_loop3A_352 : vector<16xf32>
      scf.yield %parallel_loop3A_353, %parallel_loop3A_340, %parallel_loop3A_349, %parallel_loop3A_351 : vector<16xf32>, vector<16xi32>, vector<16xf32>, vector<16xf32>
    } {sc.loop_unroll_factor = 4 : i64, sc.parallel_access}
    %dma_wait3A_281 = arith.constant 1 : i32
    %dma_wait3A_282 = arith.constant 1 : i32
    %dma_wait3A_283 = arith.constant 0 : i32
    %dma_wait3A_284 = tpu.memref_slice %arg8[%dma_wait3A_281, %dma_wait3A_283] : memref<2x16384xf32, #tpu.memory_space<vmem>> -> memref<1x16384xf32, #tpu.memory_space<vmem>>
    %dma_wait3A_285 = tpu.memref_squeeze %dma_wait3A_284 : memref<1x16384xf32, #tpu.memory_space<vmem>> -> memref<16384xf32, #tpu.memory_space<vmem>>
    %dma_wait3A_286 = tpu.memref_slice %arg2[%add3A_204] : memref<2097152xf32, #tpu.memory_space<hbm>> -> memref<16384xf32, #tpu.memory_space<hbm>>
    %dma_wait3A_287 = tpu.memref_slice %arg14[%dma_wait3A_282] : memref<2x!tpu.dma_semaphore, #tpu.memory_space<semaphore_mem>> -> memref<1x!tpu.dma_semaphore, #tpu.memory_space<semaphore_mem>>
    %dma_wait3A_288 = tpu.memref_squeeze %dma_wait3A_287 : memref<1x!tpu.dma_semaphore, #tpu.memory_space<semaphore_mem>> -> memref<!tpu.dma_semaphore, #tpu.memory_space<semaphore_mem>>
    %dma_wait3A_289 = arith.constant 0 : i32
    %dma_wait3A_290 = tpu.memref_slice %arg8[%dma_wait3A_281, %dma_wait3A_289] : memref<2x16384xf32, #tpu.memory_space<vmem>> -> memref<1x16384xf32, #tpu.memory_space<vmem>>
    %dma_wait3A_291 = tpu.memref_squeeze %dma_wait3A_290 : memref<1x16384xf32, #tpu.memory_space<vmem>> -> memref<16384xf32, #tpu.memory_space<vmem>>
    %dma_wait3A_292 = tpu.memref_slice %arg2[%add3A_204] : memref<2097152xf32, #tpu.memory_space<hbm>> -> memref<16384xf32, #tpu.memory_space<hbm>>
    tpu.wait_dma2 semaphore(%dma_wait3A_288 : memref<!tpu.dma_semaphore, #tpu.memory_space<semaphore_mem>>) src(%dma_wait3A_292 : memref<16384xf32, #tpu.memory_space<hbm>>) dst(%dma_wait3A_291 : memref<16384xf32, #tpu.memory_space<vmem>>)
    %dma_wait3A_293 = arith.constant 1 : i32
    %dma_wait3A_294 = arith.constant 1 : i32
    %dma_wait3A_295 = arith.constant 0 : i32
    %dma_wait3A_296 = tpu.memref_slice %arg9[%dma_wait3A_293, %dma_wait3A_295] : memref<2x16384xf32, #tpu.memory_space<vmem>> -> memref<1x16384xf32, #tpu.memory_space<vmem>>
    %dma_wait3A_297 = tpu.memref_squeeze %dma_wait3A_296 : memref<1x16384xf32, #tpu.memory_space<vmem>> -> memref<16384xf32, #tpu.memory_space<vmem>>
    %dma_wait3A_298 = tpu.memref_slice %arg3[%add3A_204] : memref<2097152xf32, #tpu.memory_space<hbm>> -> memref<16384xf32, #tpu.memory_space<hbm>>
    %dma_wait3A_299 = tpu.memref_slice %arg14[%dma_wait3A_294] : memref<2x!tpu.dma_semaphore, #tpu.memory_space<semaphore_mem>> -> memref<1x!tpu.dma_semaphore, #tpu.memory_space<semaphore_mem>>
    %dma_wait3A_300 = tpu.memref_squeeze %dma_wait3A_299 : memref<1x!tpu.dma_semaphore, #tpu.memory_space<semaphore_mem>> -> memref<!tpu.dma_semaphore, #tpu.memory_space<semaphore_mem>>
    %dma_wait3A_301 = arith.constant 0 : i32
    %dma_wait3A_302 = tpu.memref_slice %arg9[%dma_wait3A_293, %dma_wait3A_301] : memref<2x16384xf32, #tpu.memory_space<vmem>> -> memref<1x16384xf32, #tpu.memory_space<vmem>>
    %dma_wait3A_303 = tpu.memref_squeeze %dma_wait3A_302 : memref<1x16384xf32, #tpu.memory_space<vmem>> -> memref<16384xf32, #tpu.memory_space<vmem>>
    %dma_wait3A_304 = tpu.memref_slice %arg3[%add3A_204] : memref<2097152xf32, #tpu.memory_space<hbm>> -> memref<16384xf32, #tpu.memory_space<hbm>>
    tpu.wait_dma2 semaphore(%dma_wait3A_300 : memref<!tpu.dma_semaphore, #tpu.memory_space<semaphore_mem>>) src(%dma_wait3A_304 : memref<16384xf32, #tpu.memory_space<hbm>>) dst(%dma_wait3A_303 : memref<16384xf32, #tpu.memory_space<vmem>>)
    %dma_wait3A_305 = arith.constant 1 : i32
    %dma_wait3A_306 = arith.constant 1 : i32
    %dma_wait3A_307 = arith.constant 0 : i32
    %dma_wait3A_308 = tpu.memref_slice %arg10[%dma_wait3A_305, %dma_wait3A_307] : memref<2x16384xi32, #tpu.memory_space<vmem>> -> memref<1x16384xi32, #tpu.memory_space<vmem>>
    %dma_wait3A_309 = tpu.memref_squeeze %dma_wait3A_308 : memref<1x16384xi32, #tpu.memory_space<vmem>> -> memref<16384xi32, #tpu.memory_space<vmem>>
    %dma_wait3A_310 = tpu.memref_slice %arg4[%add3A_204] : memref<2097152xi32, #tpu.memory_space<hbm>> -> memref<16384xi32, #tpu.memory_space<hbm>>
    %dma_wait3A_311 = tpu.memref_slice %arg14[%dma_wait3A_306] : memref<2x!tpu.dma_semaphore, #tpu.memory_space<semaphore_mem>> -> memref<1x!tpu.dma_semaphore, #tpu.memory_space<semaphore_mem>>
    %dma_wait3A_312 = tpu.memref_squeeze %dma_wait3A_311 : memref<1x!tpu.dma_semaphore, #tpu.memory_space<semaphore_mem>> -> memref<!tpu.dma_semaphore, #tpu.memory_space<semaphore_mem>>
    %dma_wait3A_313 = arith.constant 0 : i32
    %dma_wait3A_314 = tpu.memref_slice %arg10[%dma_wait3A_305, %dma_wait3A_313] : memref<2x16384xi32, #tpu.memory_space<vmem>> -> memref<1x16384xi32, #tpu.memory_space<vmem>>
    %dma_wait3A_315 = tpu.memref_squeeze %dma_wait3A_314 : memref<1x16384xi32, #tpu.memory_space<vmem>> -> memref<16384xi32, #tpu.memory_space<vmem>>
    %dma_wait3A_316 = tpu.memref_slice %arg4[%add3A_204] : memref<2097152xi32, #tpu.memory_space<hbm>> -> memref<16384xi32, #tpu.memory_space<hbm>>
    tpu.wait_dma2 semaphore(%dma_wait3A_312 : memref<!tpu.dma_semaphore, #tpu.memory_space<semaphore_mem>>) src(%dma_wait3A_316 : memref<16384xi32, #tpu.memory_space<hbm>>) dst(%dma_wait3A_315 : memref<16384xi32, #tpu.memory_space<vmem>>)
    %parallel_loop3A_317 = arith.constant 0 : i32
    %parallel_loop3A_318 = arith.constant 1024 : i32
    %parallel_loop3A_319 = arith.constant 1 : i32
    %parallel_loop3A_320:4 = scf.for %parallel_loop3A_322 = %parallel_loop3A_317 to %parallel_loop3A_318 step %parallel_loop3A_319 iter_args(%parallel_loop3A_323 = %parallel_loop3A_280#0, %parallel_loop3A_324 = %parallel_loop3A_280#1, %parallel_loop3A_325 = %parallel_loop3A_280#2, %parallel_loop3A_326 = %parallel_loop3A_280#3) -> (vector<16xf32>, vector<16xi32>, vector<16xf32>, vector<16xf32>)  : i32 {
      %parallel_loop3A_327 = arith.constant 16 : i32
      %parallel_loop3A_328 = arith.muli %parallel_loop3A_322, %parallel_loop3A_327 : i32
      %parallel_loop3A_329 = arith.constant 1 : i32
      %parallel_loop3A_330 = arith.index_cast %parallel_loop3A_329 : i32 to index
      %parallel_loop3A_331 = arith.index_cast %parallel_loop3A_328 : i32 to index
      %parallel_loop3A_332 = tpu.vector_load %arg8[%parallel_loop3A_330, %parallel_loop3A_331] {strides = array<i32>} : memref<2x16384xf32, #tpu.memory_space<vmem>>, vector<16xf32>,
      %parallel_loop3A_333 = arith.constant 1 : i32
      %parallel_loop3A_334 = arith.index_cast %parallel_loop3A_333 : i32 to index
      %parallel_loop3A_335 = arith.index_cast %parallel_loop3A_328 : i32 to index
      %parallel_loop3A_336 = tpu.vector_load %arg9[%parallel_loop3A_334, %parallel_loop3A_335] {strides = array<i32>} : memref<2x16384xf32, #tpu.memory_space<vmem>>, vector<16xf32>,
      %parallel_loop3A_337 = arith.constant 1 : i32
      %parallel_loop3A_338 = arith.index_cast %parallel_loop3A_337 : i32 to index
      %parallel_loop3A_339 = arith.index_cast %parallel_loop3A_328 : i32 to index
      %parallel_loop3A_340 = tpu.vector_load %arg10[%parallel_loop3A_338, %parallel_loop3A_339] {strides = array<i32>} : memref<2x16384xi32, #tpu.memory_space<vmem>>, vector<16xi32>,
      %parallel_loop3A_341 = arith.cmpi ne, %parallel_loop3A_340, %parallel_loop3A_324 : vector<16xi32>
      tpu.vector_store_idx %arg11[%parallel_loop3A_324], %parallel_loop3A_325 masked %parallel_loop3A_341 {add = true} : memref<8192xf32, #tpu.memory_space<vmem>>[vector<16xi32>], vector<16xf32>, vector<16xi1>
      tpu.vector_store_idx %arg12[%parallel_loop3A_324], %parallel_loop3A_326 masked %parallel_loop3A_341 {add = true} : memref<8192xf32, #tpu.memory_space<vmem>>[vector<16xi32>], vector<16xf32>, vector<16xi1>
      %parallel_loop3A_342 = arith.constant 0.000000e+00 : f32
      %parallel_loop3A_343 = arith.constant 1.000000e+00 : f32
      %parallel_loop3A_344 = vector.broadcast %parallel_loop3A_342 : f32 to vector<16xf32>
      %parallel_loop3A_345 = vector.broadcast %parallel_loop3A_343 : f32 to vector<16xf32>
      %parallel_loop3A_346 = arith.select %parallel_loop3A_341, %parallel_loop3A_344, %parallel_loop3A_345 : vector<16xi1>, vector<16xf32>
      %parallel_loop3A_347 = arith.mulf %parallel_loop3A_325, %parallel_loop3A_346 : vector<16xf32>
      %parallel_loop3A_348 = math.exp %parallel_loop3A_332 : vector<16xf32>
      %parallel_loop3A_349 = arith.addf %parallel_loop3A_347, %parallel_loop3A_348 : vector<16xf32>
      %parallel_loop3A_350 = arith.mulf %parallel_loop3A_326, %parallel_loop3A_346 : vector<16xf32>
      %parallel_loop3A_351 = arith.addf %parallel_loop3A_350, %parallel_loop3A_336 : vector<16xf32>
      %parallel_loop3A_352 = arith.mulf %parallel_loop3A_332, %parallel_loop3A_336 : vector<16xf32>
      %parallel_loop3A_353 = arith.addf %parallel_loop3A_323, %parallel_loop3A_352 : vector<16xf32>
      scf.yield %parallel_loop3A_353, %parallel_loop3A_340, %parallel_loop3A_349, %parallel_loop3A_351 : vector<16xf32>, vector<16xi32>, vector<16xf32>, vector<16xf32>
    } {sc.loop_unroll_factor = 4 : i64, sc.parallel_access}
    tpu.vector_store_idx %arg11[%parallel_loop3A_320#1], %parallel_loop3A_320#2 {add = true} : memref<8192xf32, #tpu.memory_space<vmem>>[vector<16xi32>], vector<16xf32>,
    tpu.vector_store_idx %arg12[%parallel_loop3A_320#1], %parallel_loop3A_320#3 {add = true} : memref<8192xf32, #tpu.memory_space<vmem>>[vector<16xi32>], vector<16xf32>,
    %swap3A = arith.constant 0 : index
    %swap3A_321 = tpu.vector_load %arg13[%swap3A] {strides = array<i32>} : memref<16xf32, #tpu.memory_space<vmem>>, vector<16xf32>,
    tpu.vector_store %arg13[%swap3A], %parallel_loop3A_320#0 {strides = array<i32>} : memref<16xf32, #tpu.memory_space<vmem>>, vector<16xf32>,
    "tpu.region"() ({
      %run_scoped3A = tpu.sem_alloc : memref<!tpu.dma_semaphore, #tpu.memory_space<semaphore_mem>>
      %dma_start3A_322 = arith.constant 0 : i32
      %dma_start3A_323 = tpu.memref_slice %arg5[%add3A, %dma_start3A_322] : memref<32x8192xf32, #tpu.memory_space<hbm>> -> memref<1x8192xf32, #tpu.memory_space<hbm>>
      %dma_start3A_324 = tpu.memref_squeeze %dma_start3A_323 : memref<1x8192xf32, #tpu.memory_space<hbm>> -> memref<8192xf32, #tpu.memory_space<hbm>>
      %dma_start3A_325 = arith.constant 0 : i32
      %dma_start3A_326 = tpu.memref_slice %arg5[%add3A, %dma_start3A_325] : memref<32x8192xf32, #tpu.memory_space<hbm>> -> memref<1x8192xf32, #tpu.memory_space<hbm>>
      %dma_start3A_327 = tpu.memref_squeeze %dma_start3A_326 : memref<1x8192xf32, #tpu.memory_space<hbm>> -> memref<8192xf32, #tpu.memory_space<hbm>>
      tpu.enqueue_dma source(%arg11 : memref<8192xf32, #tpu.memory_space<vmem>>) target(%dma_start3A_327 : memref<8192xf32, #tpu.memory_space<hbm>>) target_semaphore(%run_scoped3A : memref<!tpu.dma_semaphore, #tpu.memory_space<semaphore_mem>>)
      %dma_wait3A_328 = arith.constant 0 : i32
      %dma_wait3A_329 = tpu.memref_slice %arg5[%add3A, %dma_wait3A_328] : memref<32x8192xf32, #tpu.memory_space<hbm>> -> memref<1x8192xf32, #tpu.memory_space<hbm>>
      %dma_wait3A_330 = tpu.memref_squeeze %dma_wait3A_329 : memref<1x8192xf32, #tpu.memory_space<hbm>> -> memref<8192xf32, #tpu.memory_space<hbm>>
      %dma_wait3A_331 = arith.constant 0 : i32
      %dma_wait3A_332 = tpu.memref_slice %arg5[%add3A, %dma_wait3A_331] : memref<32x8192xf32, #tpu.memory_space<hbm>> -> memref<1x8192xf32, #tpu.memory_space<hbm>>
      %dma_wait3A_333 = tpu.memref_squeeze %dma_wait3A_332 : memref<1x8192xf32, #tpu.memory_space<hbm>> -> memref<8192xf32, #tpu.memory_space<hbm>>
      tpu.wait_dma2 semaphore(%run_scoped3A : memref<!tpu.dma_semaphore, #tpu.memory_space<semaphore_mem>>) src(%arg11 : memref<8192xf32, #tpu.memory_space<vmem>>) dst(%dma_wait3A_333 : memref<8192xf32, #tpu.memory_space<hbm>>)
      tpu.yield
    }) : () -> ()
    "tpu.region"() ({
      %run_scoped3A = tpu.sem_alloc : memref<!tpu.dma_semaphore, #tpu.memory_space<semaphore_mem>>
      %dma_start3A_322 = arith.constant 0 : i32
      %dma_start3A_323 = tpu.memref_slice %arg6[%add3A, %dma_start3A_322] : memref<32x8192xf32, #tpu.memory_space<hbm>> -> memref<1x8192xf32, #tpu.memory_space<hbm>>
      %dma_start3A_324 = tpu.memref_squeeze %dma_start3A_323 : memref<1x8192xf32, #tpu.memory_space<hbm>> -> memref<8192xf32, #tpu.memory_space<hbm>>
      %dma_start3A_325 = arith.constant 0 : i32
      %dma_start3A_326 = tpu.memref_slice %arg6[%add3A, %dma_start3A_325] : memref<32x8192xf32, #tpu.memory_space<hbm>> -> memref<1x8192xf32, #tpu.memory_space<hbm>>
      %dma_start3A_327 = tpu.memref_squeeze %dma_start3A_326 : memref<1x8192xf32, #tpu.memory_space<hbm>> -> memref<8192xf32, #tpu.memory_space<hbm>>
      tpu.enqueue_dma source(%arg12 : memref<8192xf32, #tpu.memory_space<vmem>>) target(%dma_start3A_327 : memref<8192xf32, #tpu.memory_space<hbm>>) target_semaphore(%run_scoped3A : memref<!tpu.dma_semaphore, #tpu.memory_space<semaphore_mem>>)
      %dma_wait3A_328 = arith.constant 0 : i32
      %dma_wait3A_329 = tpu.memref_slice %arg6[%add3A, %dma_wait3A_328] : memref<32x8192xf32, #tpu.memory_space<hbm>> -> memref<1x8192xf32, #tpu.memory_space<hbm>>
      %dma_wait3A_330 = tpu.memref_squeeze %dma_wait3A_329 : memref<1x8192xf32, #tpu.memory_space<hbm>> -> memref<8192xf32, #tpu.memory_space<hbm>>
      %dma_wait3A_331 = arith.constant 0 : i32
      %dma_wait3A_332 = tpu.memref_slice %arg6[%add3A, %dma_wait3A_331] : memref<32x8192xf32, #tpu.memory_space<hbm>> -> memref<1x8192xf32, #tpu.memory_space<hbm>>
      %dma_wait3A_333 = tpu.memref_squeeze %dma_wait3A_332 : memref<1x8192xf32, #tpu.memory_space<hbm>> -> memref<8192xf32, #tpu.memory_space<hbm>>
      tpu.wait_dma2 semaphore(%run_scoped3A : memref<!tpu.dma_semaphore, #tpu.memory_space<semaphore_mem>>) src(%arg12 : memref<8192xf32, #tpu.memory_space<vmem>>) dst(%dma_wait3A_333 : memref<8192xf32, #tpu.memory_space<hbm>>)
      tpu.yield
    }) : () -> ()
    "tpu.region"() ({
      %run_scoped3A = tpu.sem_alloc : memref<!tpu.dma_semaphore, #tpu.memory_space<semaphore_mem>>
      %dma_start3A_322 = arith.constant 0 : i32
      %dma_start3A_323 = tpu.memref_slice %arg7[%add3A, %dma_start3A_322] : memref<32x16xf32, #tpu.memory_space<hbm>> -> memref<1x16xf32, #tpu.memory_space<hbm>>
      %dma_start3A_324 = tpu.memref_squeeze %dma_start3A_323 : memref<1x16xf32, #tpu.memory_space<hbm>> -> memref<16xf32, #tpu.memory_space<hbm>>
      %dma_start3A_325 = arith.constant 0 : i32
      %dma_start3A_326 = tpu.memref_slice %arg7[%add3A, %dma_start3A_325] : memref<32x16xf32, #tpu.memory_space<hbm>> -> memref<1x16xf32, #tpu.memory_space<hbm>>
      %dma_start3A_327 = tpu.memref_squeeze %dma_start3A_326 : memref<1x16xf32, #tpu.memory_space<hbm>> -> memref<16xf32, #tpu.memory_space<hbm>>
      tpu.enqueue_dma source(%arg13 : memref<16xf32, #tpu.memory_space<vmem>>) target(%dma_start3A_327 : memref<16xf32, #tpu.memory_space<hbm>>) target_semaphore(%run_scoped3A : memref<!tpu.dma_semaphore, #tpu.memory_space<semaphore_mem>>)
      %dma_wait3A_328 = arith.constant 0 : i32
      %dma_wait3A_329 = tpu.memref_slice %arg7[%add3A, %dma_wait3A_328] : memref<32x16xf32, #tpu.memory_space<hbm>> -> memref<1x16xf32, #tpu.memory_space<hbm>>
      %dma_wait3A_330 = tpu.memref_squeeze %dma_wait3A_329 : memref<1x16xf32, #tpu.memory_space<hbm>> -> memref<16xf32, #tpu.memory_space<hbm>>
      %dma_wait3A_331 = arith.constant 0 : i32
      %dma_wait3A_332 = tpu.memref_slice %arg7[%add3A, %dma_wait3A_331] : memref<32x16xf32, #tpu.memory_space<hbm>> -> memref<1x16xf32, #tpu.memory_space<hbm>>
      %dma_wait3A_333 = tpu.memref_squeeze %dma_wait3A_332 : memref<1x16xf32, #tpu.memory_space<hbm>> -> memref<16xf32, #tpu.memory_space<hbm>>
      tpu.wait_dma2 semaphore(%run_scoped3A : memref<!tpu.dma_semaphore, #tpu.memory_space<semaphore_mem>>) src(%arg13 : memref<16xf32, #tpu.memory_space<vmem>>) dst(%dma_wait3A_333 : memref<16xf32, #tpu.memory_space<hbm>>)
      tpu.yield
    }) : () -> ()
    return
  }
}

module attributes {stable_mosaic.version = 14 : i64} {
  func.func @_fin_body(%arg0: memref<32x8192xf32, #tpu.memory_space<vmem>>, %arg1: memref<32x8192xf32, #tpu.memory_space<vmem>>, %arg2: memref<32x16xf32, #tpu.memory_space<vmem>>, %arg3: memref<1x1xf32, #tpu.memory_space<vmem>>) attributes {dimension_semantics = [], scalar_prefetch = 0 : i64, scratch_operands = 0 : i64, tpu.core_type = #tpu.core_type<tc>} {
    %get3A = arith.constant 0 : index
    %get3A_0 = arith.constant 0 : index
    %get3A_1 = vector.load %arg0[%get3A, %get3A_0] : memref<32x8192xf32, #tpu.memory_space<vmem>>, vector<32x8192xf32>
    %reduce_sum3A = arith.constant dense<0.000000e+00> : vector<8192xf32>
    %reduce_sum3A_2 = vector.multi_reduction <add>, %get3A_1, %reduce_sum3A [0] : vector<32x8192xf32> to vector<8192xf32>
    %broadcast_in_dim3A = vector.shape_cast %reduce_sum3A_2 : vector<8192xf32> to vector<1x8192xf32>
    %get3A_3 = arith.constant 0 : index
    %get3A_4 = arith.constant 0 : index
    %get3A_5 = vector.load %arg1[%get3A_3, %get3A_4] : memref<32x8192xf32, #tpu.memory_space<vmem>>, vector<32x8192xf32>
    %reduce_sum3A_6 = arith.constant dense<0.000000e+00> : vector<8192xf32>
    %reduce_sum3A_7 = vector.multi_reduction <add>, %get3A_5, %reduce_sum3A_6 [0] : vector<32x8192xf32> to vector<8192xf32>
    %broadcast_in_dim3A_8 = vector.shape_cast %reduce_sum3A_7 : vector<8192xf32> to vector<1x8192xf32>
    %gt3A = arith.constant 0.000000e+00 : f32
    %gt3A_9 = vector.broadcast %gt3A : f32 to vector<1x8192xf32>
    %gt3A_10 = arith.cmpf ogt, %broadcast_in_dim3A, %gt3A_9 : vector<1x8192xf32>
    %jit3A = arith.constant 1.000000e+00 : f32
    %broadcast_in_dim3A_11 = vector.broadcast %jit3A : f32 to vector<1x8192xf32>
    %select_n3A = arith.select %gt3A_10, %broadcast_in_dim3A, %broadcast_in_dim3A_11 : vector<1x8192xi1>, vector<1x8192xf32>
    %log3A = math.log %select_n3A : vector<1x8192xf32>
    %mul3A = arith.mulf %broadcast_in_dim3A_8, %log3A : vector<1x8192xf32>
    %jit3A_12 = arith.constant 0.000000e+00 : f32
    %broadcast_in_dim3A_13 = vector.broadcast %jit3A_12 : f32 to vector<1x8192xf32>
    %select_n3A_14 = arith.select %gt3A_10, %mul3A, %broadcast_in_dim3A_13 : vector<1x8192xi1>, vector<1x8192xf32>
    %reduce_sum3A_15 = vector.shape_cast %select_n3A_14 : vector<1x8192xf32> to vector<1x1x8192xf32>
    %reduce_sum3A_16 = arith.constant dense<0.000000e+00> : vector<1xf32>
    %reduce_sum3A_17 = vector.multi_reduction <add>, %reduce_sum3A_15, %reduce_sum3A_16 [1, 2] : vector<1x1x8192xf32> to vector<1xf32>
    %reduce_sum3A_18 = vector.shape_cast %reduce_sum3A_17 : vector<1xf32> to vector<1x1x1xf32>
    %reduce_sum3A_19 = vector.extract %reduce_sum3A_18[0, 0, 0] : f32 from vector<1x1x1xf32>
    %get3A_20 = arith.constant 0 : index
    %get3A_21 = arith.constant 0 : index
    %get3A_22 = vector.load %arg2[%get3A_20, %get3A_21] : memref<32x16xf32, #tpu.memory_space<vmem>>, vector<32x16xf32>
    %reduce_sum3A_23 = vector.shape_cast %get3A_22 : vector<32x16xf32> to vector<1x32x16xf32>
    %reduce_sum3A_24 = arith.constant dense<0.000000e+00> : vector<1xf32>
    %reduce_sum3A_25 = vector.multi_reduction <add>, %reduce_sum3A_23, %reduce_sum3A_24 [1, 2] : vector<1x32x16xf32> to vector<1xf32>
    %reduce_sum3A_26 = vector.shape_cast %reduce_sum3A_25 : vector<1xf32> to vector<1x1x1xf32>
    %reduce_sum3A_27 = vector.extract %reduce_sum3A_26[0, 0, 0] : f32 from vector<1x1x1xf32>
    %sub3A = arith.subf %reduce_sum3A_19, %reduce_sum3A_27 : f32
    %div3A = arith.constant 0x4A000000 : f32
    %div3A_28 = arith.divf %sub3A, %div3A : f32
    %broadcast_in_dim3A_29 = vector.broadcast %div3A_28 : f32 to vector<1x1xf32>
    %swap3A = arith.constant 0 : index
    %swap3A_30 = arith.constant 0 : index
    %swap3A_31 = vector.load %arg3[%swap3A, %swap3A_30] : memref<1x1xf32, #tpu.memory_space<vmem>>, vector<1x1xf32>
    tpu.vector_store %arg3[%swap3A, %swap3A_30], %broadcast_in_dim3A_29 {strides = array<i32>} : memref<1x1xf32, #tpu.memory_space<vmem>>, vector<1x1xf32>,
    return
  }
}

</mosaic_0001>

<sc_bundles>
// kernel: kernel.4.cloned.1.call-start
scs
__scs_entry_jumppad:
0x0: {  	(pc) =	sbr.rel $0x88, $3  }
0x1: {  	(tag) =	ssettag $0x0;
	lr =	simm.s32 $0x1  }
0x2: {  	[smem:$0x3F9E] =	sst lr;
	_ =	strace $0xD0000000  }
0x3: {  	_ = 	snop  }
0x4: {  	_ = 	snop  }
0x5: {  	_ = 	snop  }
0x6: {  	_ = 	snop  }
0x7: {  	_ = 	snop  }
__scs_overlays_trampoline_lowered:
0x8: {  	[smem:$0x3FAD] =	sst s0  }
0x9: {  	[smem:$0x3FAE] =	sst s1  }
0xa: {  	[smem:$0x3FAF] =	sst s2  }
0xb: {  	[smem:$0x3FB0] =	sst s3  }
0xc: {  	[smem:$0x3FB1] =	sst s4  }
0xd: {  	[smem:$0x3FB2] =	sst s5  }
0xe: {  	[smem:$0x3FB3] =	sst s6  }
0xf: {  	[smem:$0x3FB4] =	sst s7  }
0x10: {  	[smem:$0x3FB5] =	sst s8  }
0x11: {  	[smem:$0x3FB6] =	sst s9;
	s0 =	simm.s32 @!p0 $0x0  }
0x12: {  	s1 =	sld [smem:$0x3F9C];
	s0 =	simm.s32 @p0 $0x1  }
0x13: {  	[smem:$0x3FB7] =	sst s0;
	s0 =	simm.s32 @!p1 $0x0  }
0x14: {  	s2 =	sld [smem:$0x3F9B];
	s0 =	simm.s32 @p1 $0x1  }
0x15: {  	[smem:$0x3FB8] =	sst s0;
	s0 =	simm.s32 @!p2 $0x0  }
0x16: {  	s3 =	sld [smem:$0x3FDB];
	s0 =	simm.s32 @p2 $0x1  }
0x17: {  	s4 =	simm.s32 $0x1BF5;
	[smem:$0x3FBA] =	sst s0  }
0x18: {  	s0 =	sld [smem:$0x3F9D];
	_ =	swait.ge [sflag:s4], $0x0  }
0x19: {  	s7 =	sld [smem:$0x3F9E]  }
0x1a: {  	s8 =	sadd.s32 $0xFFFFE003, lr  }
0x1b: {  	s9 =	sadd.s32 $0xFFFFFEF7, lr;
	s5 =	simm.s32 $0xFFFFFFFF;
	p2 =	slt.u32 s8, $0xFFFFF086  }
0x1c: {  	p1 =	slt.u32 s9, $0xF7A;
	s5 =	simm.s32 @!p2 $0x0  }
0x1d: {  	s5 =	simm.s32 @p1 $0x1;
	p0 =	seq.s32 s7, s2  }
0x1e: {  	s7 =	smul.u32 @!p0 $0xF7A, s2;
	p2 =	seq.s32 @!p0 s5, $0x0  }
0x1f: {  	s9 =	smul.u32 $0xF7A, s1;
	s8 =	simm.s32 @!p0 $0x1BF5;
	p2 =	por !p2, p0  }
0x20: {  	[sflag:s8] =	ssyncset.s32 @!p0 $0xFFFFF086;
	s6 =	sadd.s32 @!p0 s3, s7;
	s7 =	simm.s32 @!p0 $0x108  }
0x21: {  	s3 =	sadd.s32 s3, s9;
	s6 =	sadd.s32 @!p0 $0x88, s6;
	s7 =	simm.s32 @p2 $0x1082  }
0x22: {  	[simem:s7], [sflag:s8] =	dma.local @!p0 [hbm:s6], $0xF7A  }
0x23: {  	s9 =	sor.u32 $0xD0000000, s2;
	s6 =	simm.s32 $0x108;
	_ =	swait.ge @!p0 [sflag:s8], $0x0  }
0x24: {  	s3 =	sadd.s32 $0x88, s3;
	s6 =	simm.s32 @!p1 $0x1082;
	[sflag:s4] =	ssyncset.s32 $0xFFFFF086  }
0x25: {  	[simem:s6], [sflag:s4] =	dma.local [hbm:s3], $0xF7A  }
0x26: {  	[smem:$0x3F9E] =	sst s1;
	(tag) =	ssettag s2;
	_ =	strace s9  }
0x27: {  	s1 =	sld [smem:$0x3FAE]  }
0x28: {  	s2 =	sld [smem:$0x3FAF]  }
0x29: {  	s4 =	sld [smem:$0x3FB1]  }
0x2a: {  	p0 =	seq.s32 s5, $0x0;
	s5 =	sld [smem:$0x3FB2]  }
0x2b: {  	s6 =	sld [smem:$0x3FB3]  }
0x2c: {  	s7 =	sld [smem:$0x3FB4]  }
0x2d: {  	s3 =	simm.s32 $0x108;
	s8 =	sld [smem:$0x3FB5]  }
0x2e: {  	s3 =	simm.s32 @!p0 $0x1082;
	s9 =	sld [smem:$0x3FB6]  }
0x2f: {  	lr =	sadd.s32 s0, s3;
	s0 =	sld [smem:$0x3FAD]  }
0x30: {  	s3 =	sld [smem:$0x3FB0]  }
0x31: {  	[smem:$0x3FB9] =	sst s10  }
0x32: {  	s10 =	sld [smem:$0x3FB7];
	_ =	sdelay $0x3  }
0x33: {  	p0 =	seq.s32 s10, $0x1;
	s10 =	sld [smem:$0x3FB9];
	_ =	sdelay $0x3  }
0x34: {  	[smem:$0x3FB9] =	sst s10  }
0x35: {  	s10 =	sld [smem:$0x3FB8];
	_ =	sdelay $0x3  }
0x36: {  	p1 =	seq.s32 s10, $0x1;
	s10 =	sld [smem:$0x3FB9];
	_ =	sdelay $0x3  }
0x37: {  	[smem:$0x3FB9] =	sst s10  }
0x38: {  	s10 =	sld [smem:$0x3FBA]  }
0x39: {  	_ = 	snop;
	(pc) =	sbr.ind lr, $3  }
0x3a: {  	_ = 	snop  }
0x3b: {  	_ = 	snop  }
0x3c: {  	p2 =	seq.s32 s10, $0x1;
	s10 =	sld [smem:$0x3FB9]  }
0x3d: {  	_ =	shalt  }
0x3e: {  	_ =	shalt  }
0x3f: {  	_ =	shalt  }
0x40: {  	_ =	shalt  }
0x41: {  	_ =	shalt  }
0x42: {  	_ =	shalt  }
0x43: {  	_ =	shalt  }
0x44: {  	_ =	shalt  }
0x45: {  	_ =	shalt  }
0x46: {  	_ =	shalt  }
0x47: {  	_ =	shalt  }
0x48: {  	_ =	shalt  }
0x49: {  	_ =	shalt  }
0x4a: {  	_ =	shalt  }
0x4b: {  	_ =	shalt  }
0x4c: {  	_ =	shalt  }
0x4d: {  	_ =	shalt  }
0x4e: {  	_ =	shalt  }
0x4f: {  	_ =	shalt  }
0x50: {  	_ =	shalt  }
0x51: {  	_ =	shalt  }
0x52: {  	_ =	shalt  }
0x53: {  	_ =	shalt  }
0x54: {  	_ =	shalt  }
0x55: {  	_ =	shalt  }
0x56: {  	_ =	shalt  }
0x57: {  	_ =	shalt  }
0x58: {  	_ =	shalt  }
0x59: {  	_ =	shalt  }
0x5a: {  	_ =	shalt  }
0x5b: {  	_ =	shalt  }
0x5c: {  	_ =	shalt  }
0x5d: {  	_ =	shalt  }
0x5e: {  	_ =	shalt  }
0x5f: {  	_ =	shalt  }
0x60: {  	_ =	shalt  }
0x61: {  	_ =	shalt  }
0x62: {  	_ =	shalt  }
0x63: {  	_ =	shalt  }
0x64: {  	_ =	shalt  }
0x65: {  	_ =	shalt  }
0x66: {  	_ =	shalt  }
0x67: {  	_ =	shalt  }
0x68: {  	_ =	shalt  }
0x69: {  	_ =	shalt  }
0x6a: {  	_ =	shalt  }
0x6b: {  	_ =	shalt  }
0x6c: {  	_ =	shalt  }
0x6d: {  	_ =	shalt  }
0x6e: {  	_ =	shalt  }
0x6f: {  	_ =	shalt  }
0x70: {  	_ =	shalt  }
0x71: {  	_ =	shalt  }
0x72: {  	_ =	shalt  }
0x73: {  	_ =	shalt  }
0x74: {  	_ =	shalt  }
0x75: {  	_ =	shalt  }
0x76: {  	_ =	shalt  }
0x77: {  	_ =	shalt  }
0x78: {  	_ =	shalt  }
0x79: {  	_ =	shalt  }
0x7a: {  	_ =	shalt  }
0x7b: {  	_ =	shalt  }
0x7c: {  	_ =	shalt  }
0x7d: {  	_ =	shalt  }
0x7e: {  	_ =	shalt  }
0x7f: {  	_ =	shalt  }
0x80: {  	_ =	shalt  }
0x81: {  	_ =	shalt  }
0x82: {  	_ =	shalt  }
0x83: {  	_ =	shalt  }
0x84: {  	_ =	shalt  }
0x85: {  	_ =	shalt  }
0x86: {  	_ =	shalt  }
0x87: {  	_ =	shalt  }
.Lfunc_end0:
.L_simem_size_0:
called_computation_lowered:
.L_overlay_start_0:
0x88: {  	s2 =	sld [smem:$0x3FD9]  }
0x89: {  	s3 =	sld [smem:$0x3FFE];
	_ =	sdelay $0x1  }
0x8a: {  	s1 =	srdreg.scid  }
0x8b: {  	s0 =	sand.u32 $0x1, s1  }
0x8c: {  	s17 =	sshll.u32 s0, $0xA;
	s2 =	sadd.s32 s3, s2  }
0x8d: {  	s2 =	sadd.s32 s2, s17  }
0x8e: {  	[smem:$0x3FC5] =	sst s2  }
0x8f: {  	_ = 	snop  }
0x90: {  	s2 =	sld [smem:$0x3FC9]  }
0x91: {  	s18 =	sld [smem:$0x3FC8]  }
0x92: {  	s4 =	sld [smem:$0x3FC7];
	(tm) =	ssettm $0x1  }
0x93: {  	s5 =	sld [smem:$0x3FFB];
	_ =	sdelay $0x3  }
0x94: {  	_ =	strace s5  }
0x95: {  	s5 =	sld [smem:$0x3FFC];
	_ =	sdelay $0x3  }
0x96: {  	_ =	strace s5  }
0x97: {  	s5 =	sld [smem:$0x3FFD];
	_ =	sdelay $0x3  }
0x98: {  	_ =	strace s5  }
0x99: {  	_ =	strace $0x8FFFFFFF  }
0x9a: {  	s19 =	sld [smem:$0x3FDB];
	_ =	sdelay $0x1  }
0x9b: {  	s6 =	simm.s32 $_scs_section_size  }
0x9c: {  	s7 =	simm.s32 $_size__tile_overlayer_lowered;
	s8 =	simm.s32 $_tile_overlayer_lowered  }
0x9d: {  	s22 =	simm.s32 $0x1BFF;
	s21 =	sshll.u32 s8, $0x1;
	s5 =	sadd.s32 s6, s19  }
0x9e: {  	s9 =	simm.s32 $0x0;
	s20 =	sshll.u32 s7, $0x1;
	s7 =	sadd.s32 s21, s5  }
0x9f: {  	[timem:s9], [sflag:s22] =	dma.local [hbm:s7], s20  }
0xa0: {  	_ =	swait.ge [sflag:s22], s20  }
0xa1: {  	s6 =	ssub.s32 $0x0, s20;
	[sflag:s22] =	ssyncset.done $0x0  }
0xa2: {  	[sflag:s22] =	ssyncadd.s32 s6;
	_ =	sdelay $0x1  }
0xa3: {  	s23 =	simm.s32 $0x1B8B  }
0xa4: {  	_ =	swait.ge [sflag:s23], $0x1  }
0xa5: {  	[sflag:s23] =	ssyncset.done $0x0  }
0xa6: {  	s25 =	simm.s32 $0x1B8E;
	s24 =	sld [smem:$0x3FFE];
	[sflag:s23] =	ssyncadd.s32 $0xFFFFFFFF  }
0xa7: {  	s26 =	simm.s32 $execute0_lowered;
	[smem:$0x3FD2] =	sst s25  }
0xa8: {  	s7 =	sshll.u32 s26, $0x1;
	_ =	strace $0x80000046;
	[dreg:$0x1] =	wrdreg $0xFFFFFFFF  }
0xa9: {  	s28 =	simm.s32 $_size_execute0_lowered;
	s5 =	sadd.s32 s5, s7;
	[dreg:$0x0] =	wrdreg $0x0  }
0xaa: {  	s7 =	sshll.u32 s28, $0x1;
	[dreg:$0x2] =	wrdreg s5  }
0xab: {  	[dreg:$0x3] =	wrdreg s7  }
0xac: {  	[dreg:$0x4] =	wrdreg $0xC0  }
0xad: {  	_ =	task [dreg:s9], $0x5FFFF  }
0xae: {  	[dreg:$0x1] =	wrdreg $0xFFFFFFFF  }
0xaf: {  	[dreg:$0x0] =	wrdreg $0x60  }
0xb0: {  	[dreg:$0x2] =	wrdreg s2  }
0xb1: {  	[dreg:$0x3] =	wrdreg s18  }
0xb2: {  	[dreg:$0x4] =	wrdreg s4  }
0xb3: {  	[dreg:$0x5] =	wrdreg s24  }
0xb4: {  	[dreg:$0x6] =	wrdreg $0x9  }
0xb5: {  	_ =	task.clear_ibuf [dreg:s9], $0x7FFFF;
	_ =	strace $0x90000046  }
0xb6: {  	s29 =	simm.s32 $0x9;
	_ =	strace $0x80000048  }
0xb7: {  	_ =	swait.ge [sflag:s29], $0x1  }
0xb8: {  	[sflag:s29] =	ssyncadd.s32 $0xFFFFFFFF  }
0xb9: {  	_ =	strace $0x90000048  }
0xba: {  	_ =	sfence  }
0xbb: {  	s30 =	sld [smem:$0x0];
	_ =	sdelay $0x2  }
0xbc: {  	s31 =	sshll.u32 s1, $0xD;
	s1 =	sshrl.u32 s1, $0x2  }
0xbd: {  	s3 =	sand.u32 $0x4000, s31;
	s1 =	sadd.s32 s1, s30  }
0xbe: {  	s0 =	sor.u32 s3, s0;
	s1 =	sshll.u32 s1, $0x11  }
0xbf: {  	s0 =	sor.u32 s1, s0  }
0xc0: {  	s0 =	sadd.s32 $0x8F2B, s0  }
0xc1: {  	[sflag:s0] =	ssyncadd.remote.s32 $0x1  }
0xc2: {  	_ =	sfence.sel $0xFFFF  }
0xc3: {  	[dreg:$0x0] =	wrdreg $0xFFFFFFFF;
	(pc) =	sbr.abs _section_cstart, $3  }
0xc4: {  	[dreg:$0x1] =	wrdreg $0xFFFFFFFF  }
0xc5: {  	_ =	task.clear_ibuf [dreg:s9], $0x2FFFF;
	_ =	strace $0x9FFFFFFF  }
0xc6: {  	(tm) =	ssettm $0x7FFFFFFF  }
0xc7: {  	_ =	shalt  }
tec
execute0_lowered:
.L_overlay_start_1:
0x0: {  	(tag) =	ssettag $0x1  }
0x1: {  	s0 =	rddreg [dreg:$0x0]  }
0x2: {  	s1 =	rddreg [dreg:$0x1]  }
0x3: {  	s2 =	srdreg.scid;
	s14 =	rddreg [dreg:$0x2]  }
0x4: {  	s6 =	stileid.u32;
	s4 =	rddreg [dreg:$0x3]  }
0x5: {  	s19 =	simm.s32 $0x1;
	s20 =	simm.s32 $0x18000;
	s21 =	simm.s32 $0x1A000  }
0x6: {  	s22 =	simm.s32 $0x2;
	s23 =	simm.s32 $0x80;
	s24 =	simm.s32 $0x400  }
0x7: {  	s25 =	simm.s32 $0x3;
	s28 =	simm.s32 $0x0;
	s3 =	sand.u32 $0x1, s2  }
0x8: {  	s29 =	sshll.u32 s6, $0x1;
	s6 =	sshrl.u32 s6, $0x2;
	s2 =	simm.s32 $0x0  }
0x9: {  	s5 =	sor.u32 s3, s29;
	s8 =	sshll.u32 s6, $0x10;
	[smem:$0x7FF] =	sst s2  }
0xa: {  	s6 =	sshll.u32 s6, $0xA;
	s3 =	ssub.s32 $0x2, s3;
	s7 =	sshll.u32 s5, $0x7  }
0xb: {  	_ =	strace $0x80000047;
	s30 =	sshrl.u32 s3, $0x1;
	s10 =	sshll.u32 s5, $0xD  }
0xc: {  	s7 =	sand.u32 $0x380, s7;
	s18 =	ssub.s32 s3, s30;
	s3 =	sadd.s32 s0, s10  }
0xd: {  	s5 =	sadd.s32 s14, s10;
	s31 =	sor.u32 $0x800, s10;
	s11 =	sor.u32 $0x1000, s10  }
0xe: {  	s15 =	sor.u32 $0x1800, s10;
	s8 =	sor.u32 s8, s7;
	s6 =	sor.u32 s6, s7  }
0xf: {  	s7 =	sadd.s32 s1, s31;
	s9 =	sadd.s32 s0, s11;
	s12 =	sadd.s32 s0, s15  }
0x10: {  	s13 =	sadd.s32 s1, s15;
	s8 =	sshrl.u32 s8, $0x3;
	s6 =	sshrl.u32 s6, $0x3  }
0x11: {  	s18 =	smax.u32 s18, $0x1;
	s16 =	sadd.s32 s8, s4;
	s17 =	sadd.s32 s6, s4  }
0x12: {  	s4 =	sadd.s32 s1, s10;
	s6 =	sadd.s32 s0, s31;
	s8 =	sadd.s32 s14, s31  }
0x13: {  	s10 =	sadd.s32 s1, s11;
	s11 =	sadd.s32 s14, s11;
	s14 =	sadd.s32 s14, s15  }
0x14: {  	v0 =	vimm.f32 $0.0e+00;
	v1 =	vimm.f32 $1.000000000e+00;
	s15 =	sadd.s32 $0xE00, s16;
	s16 =	sadd.s32 $0x8E00, s16;
	s17 =	sadd.s32 $0x10E00, s17  }
.LBB2_1:
0x15: {  	s0 =	simm.s32 $0x0  }
.LBB2_2:
0x16: {  	p0 =	sne.s32 s0, $0x7FC0  }
.Ltmp0:
0x17: {  	_ = 	snop;
	(pc) =	sbr.rel @p0 .LBB2_2-.Ltmp0, $4  }
0x18: {  	_ = 	snop  }
0x19: {  	s1 =	sshra.s32 s0, $0x2  }
0x1a: {  	[tilespmem:s1+$0x18000] =	vst v0  }
0x1b: {  	s0 =	sadd.s32 $0x40, s0;
	[tilespmem:s1+$0x1A000] =	vst v0  }
0x1c: {  	s0 =	simm.s32 $0x0  }
0x1d: {  	s1 =	simm.s32 $0x10;
	s30 =	sadd.s32 $0x0, s3;
	s29 =	simm.s32 $0x100  }
.LBB2_4:
0x1e: {  	[tilespmem:s0], [sflag:$0x1] =	stream.linear.gather [hbm4b:s30+s2], $0x80, $0x38;
	[tilespmem:$0x1C080] =	vst v63  }
0x1f: {  	s30 =	smov.u32 s1;
	s0 =	smov.u32 s29;
	p0 =	sne.s32 s1, $0x7F0  }
.Ltmp1:
0x20: {  	s1 =	sadd.s32 $0x10, s1;
	(pc) =	sbr.rel @p0 .LBB2_4-.Ltmp1, $2  }
0x21: {  	_ =	sdelay $0x2  }
0x22: {  	s29 =	sadd.s32 $0x100, s29;
	s30 =	sadd.s32 s30, s3  }
0x23: {  	[tilespmem:s0], [sflag:$0x1] =	stream.linear.gather [hbm4b:s30+s2], $0x80, $0x38;
	[tilespmem:$0x1C080] =	vst v63  }
0x24: {  	s0 =	simm.s32 $0x8000  }
0x25: {  	s1 =	simm.s32 $0x10;
	s30 =	sadd.s32 $0x0, s4;
	s29 =	simm.s32 $0x8100  }
.LBB2_6:
0x26: {  	[tilespmem:s0], [sflag:$0x1] =	stream.linear.gather [hbm4b:s30+s2], $0x80, $0x38;
	[tilespmem:$0x1C080] =	vst v63  }
0x27: {  	s30 =	smov.u32 s1;
	s0 =	smov.u32 s29;
	p0 =	sne.s32 s1, $0x7F0  }
.Ltmp2:
0x28: {  	s1 =	sadd.s32 $0x10, s1;
	(pc) =	sbr.rel @p0 .LBB2_6-.Ltmp2, $2  }
0x29: {  	_ =	sdelay $0x2  }
0x2a: {  	s29 =	sadd.s32 $0x100, s29;
	s30 =	sadd.s32 s30, s4  }
0x2b: {  	[tilespmem:s0], [sflag:$0x1] =	stream.linear.gather [hbm4b:s30+s2], $0x80, $0x38;
	[tilespmem:$0x1C080] =	vst v63  }
0x2c: {  	s0 =	simm.s32 $0x10000  }
0x2d: {  	s1 =	simm.s32 $0x10;
	s30 =	sadd.s32 $0x0, s5;
	s29 =	simm.s32 $0x10100  }
.LBB2_8:
0x2e: {  	[tilespmem:s0], [sflag:$0x1] =	stream.linear.gather [hbm4b:s30+s2], $0x80, $0x38;
	[tilespmem:$0x1C080] =	vst v63  }
0x2f: {  	s30 =	smov.u32 s1;
	s0 =	smov.u32 s29;
	p0 =	sne.s32 s1, $0x7F0  }
.Ltmp3:
0x30: {  	s1 =	sadd.s32 $0x10, s1;
	(pc) =	sbr.rel @p0 .LBB2_8-.Ltmp3, $2  }
0x31: {  	_ =	sdelay $0x2  }
0x32: {  	s29 =	sadd.s32 $0x100, s29;
	s30 =	sadd.s32 s30, s5  }
0x33: {  	[tilespmem:s0], [sflag:$0x1] =	stream.linear.gather [hbm4b:s30+s2], $0x80, $0x38;
	[tilespmem:$0x1C080] =	vst v63  }
0x34: {  	_ =	swait.ge [sflag:s19], $0x4000  }
0x35: {  	[sflag:s19] =	ssyncset.done $0x0  }
0x36: {  	[sflag:s19] =	ssyncadd.s32 $0xFFFFC000  }
0x37: {  	_ =	swait.ge [sflag:s19], $0x4000  }
0x38: {  	[sflag:s19] =	ssyncset.done $0x0  }
0x39: {  	[sflag:s19] =	ssyncadd.s32 $0xFFFFC000  }
0x3a: {  	_ =	swait.ge [sflag:s19], $0x4000  }
0x3b: {  	[sflag:s19] =	ssyncset.done $0x0  }
0x3c: {  	[sflag:s19] =	ssyncadd.s32 $0xFFFFC000  }
0x3d: {  	v2 =	vld [tilespmem:$0x10000];
	_ =	sdelay $0x5  }
0x3e: {  	s0 =	simm.s32 $0x80  }
0x3f: {  	s1 =	simm.s32 $0x10;
	s30 =	sadd.s32 $0x0, s6;
	s29 =	simm.s32 $0x180  }
.LBB2_10:
0x40: {  	[tilespmem:s0], [sflag:$0x2] =	stream.linear.gather [hbm4b:s30+s2], $0x80, $0x38;
	[tilespmem:$0x1C080] =	vst v63  }
0x41: {  	s30 =	smov.u32 s1;
	s0 =	smov.u32 s29;
	p0 =	sne.s32 s1, $0x7F0  }
.Ltmp4:
0x42: {  	s1 =	sadd.s32 $0x10, s1;
	(pc) =	sbr.rel @p0 .LBB2_10-.Ltmp4, $2  }
0x43: {  	_ =	sdelay $0x2  }
0x44: {  	s29 =	sadd.s32 $0x100, s29;
	s30 =	sadd.s32 s30, s6  }
0x45: {  	[tilespmem:s0], [sflag:$0x2] =	stream.linear.gather [hbm4b:s30+s2], $0x80, $0x38;
	[tilespmem:$0x1C080] =	vst v63  }
0x46: {  	s0 =	simm.s32 $0x8080  }
0x47: {  	s1 =	simm.s32 $0x10;
	s30 =	sadd.s32 $0x0, s7;
	s29 =	simm.s32 $0x8180  }
.LBB2_12:
0x48: {  	[tilespmem:s0], [sflag:$0x2] =	stream.linear.gather [hbm4b:s30+s2], $0x80, $0x38;
	[tilespmem:$0x1C080] =	vst v63  }
0x49: {  	s30 =	smov.u32 s1;
	s0 =	smov.u32 s29;
	p0 =	sne.s32 s1, $0x7F0  }
.Ltmp5:
0x4a: {  	s1 =	sadd.s32 $0x10, s1;
	(pc) =	sbr.rel @p0 .LBB2_12-.Ltmp5, $2  }
0x4b: {  	_ =	sdelay $0x2  }
0x4c: {  	s29 =	sadd.s32 $0x100, s29;
	s30 =	sadd.s32 s30, s7  }
0x4d: {  	[tilespmem:s0], [sflag:$0x2] =	stream.linear.gather [hbm4b:s30+s2], $0x80, $0x38;
	[tilespmem:$0x1C080] =	vst v63  }
0x4e: {  	s0 =	simm.s32 $0x0;
	s1 =	simm.s32 $0x10080;
	s29 =	simm.s32 $0x0  }
.LBB2_14:
0x4f: {  	p0 =	sne.s32 s29, $0x7F0  }
.Ltmp6:
0x50: {  	_ = 	snop;
	(pc) =	sbr.rel @p0 .LBB2_14-.Ltmp6, $4  }
0x51: {  	_ = 	snop  }
0x52: {  	s30 =	sadd.s32 s29, s8  }
0x53: {  	[tilespmem:s1], [sflag:$0x2] =	stream.linear.gather [hbm4b:s30+s0], $0x80, $0x38;
	[tilespmem:$0x1C080] =	vst v63  }
0x54: {  	s29 =	sadd.s32 $0x10, s29;
	s1 =	sadd.s32 $0x100, s1  }
0x55: {  	s1 =	sand.u32 $0x40, s0;
	s26 =	sand.u32 $0x7F00, s0  }
0x56: {  	s0 =	sor.u32 s1, s26  }
0x57: {  	v3 =	vld [tilespmem:s0+$0x0]  }
0x58: {  	v23 =	vld [tilespmem:s0+$0x10000]  }
0x59: {  	v9 =	vld [tilespmem:s0+$0x10010]  }
0x5a: {  	v10 =	vld [tilespmem:s0+$0x20]  }
0x5b: {  	v8 =	vld [tilespmem:s0+$0x10]  }
0x5c: {  	v11 =	vld [tilespmem:s0+$0x8000];
	v4 =	vmul.f32 $1.442695020e+00, v3  }
0x5d: {  	vm0 =	vne.s32 v23, v2  }
0x5e: {  	v5 =	vimm.f32 $0.0e+00;
	v6 =	vsel vm0, $0x0, v1;
	(erf) = vpow2.f32 v4  }
0x5f: {  	v12 =	vld [tilespmem:s0+$0x8010];
	v13 =	vmul.f32 v6, v5;
	v4 =	vmul.f32 $1.442695020e+00, v10  }
0x60: {  	v18 =	vld [tilespmem:s0+$0x10020];
	v6 =	vmul.f32 $1.442695020e+00, v8  }
0x61: {  	v14 =	vld [tilespmem:s0+$0x30];
	vm2 =	vne.s32 v9, v23;
	v24 =	vadd.f32 v13, v11;
	(erf) = vpow2.f32 v4  }
0x62: {  	s29 =	simm.s32 $0x40;
	s26 =	simm.s32 $0x80;
	v16 =	vld [tilespmem:s0+$0x8020];
	v15 =	vsel vm2, $0x0, v1;
	(erf) = vpow2.f32 v6  }
0x63: {  	s29 =	sand.u32 $0x40, s29;
	s1 =	sand.u32 $0x7F00, s26;
	v19 =	vld [tilespmem:s0+$0x8030];
	v6 =	vmul.f32 v15, v24  }
0x64: {  	s29 =	sor.u32 s29, s1;
	v4 =	vld [tilespmem:s0+$0x10030]  }
0x65: {  	v7 =	vld [tilespmem:s29+$0x10010];
	vm3 =	vne.s32 v18, v9;
	v17 =	vadd.f32 v6, v12  }
0x66: {  	v26 =	vld [tilespmem:s29+$0x8000];
	v3 =	vmul.f32 v11, v3;
	v20 =	vsel vm3, $0x0, v1  }
0x67: {  	v61 =	vld [tilespmem:s29+$0x10];
	v25 =	vmul.f32 $1.442695020e+00, v14;
	vm4 =	vmmov vm2;
	v21 =	vmul.f32 v20, v17;
	v22 =	vpop (erf)  }
0x68: {  	v3 =	vadd.f32 v3, v5;
	v11 =	vmul.f32 v12, v8;
	v6 =	vld [tilespmem:s29+$0x10000];
	v22 =	vadd.f32 v13, v22  }
0x69: {  	v28 =	vld [tilespmem:s29+$0x0];
	vm1 =	vne.s32 v4, v18;
	(erf) = vpow2.f32 v25;
	v21 =	vadd.f32 v21, v16  }
0x6a: {  	v30 =	vld [tilespmem:s29+$0x8010];
	v27 =	vsel vm1, $0x0, v1;
	v12 =	vmul.f32 v15, v22;
	v15 =	vpop (erf)  }
0x6b: {  	v10 =	vmul.f32 v16, v10;
	v8 =	vld [tilespmem:s29+$0x30];
	v3 =	vadd.f32 v11, v3;
	v13 =	vmul.f32 v27, v21;
	v29 =	vpop (erf)  }
0x6c: {  	[tilespmem:v2+s20+$0x0] =	vst.idx.add.f32.msk vm0, v5;
	v29 =	vadd.f32 v12, v29  }
0x6d: {  	v3 =	vadd.f32 v10, v3;
	v10 =	vld [tilespmem:s29+$0x10020];
	vm2 =	vne.s32 v6, v4;
	v11 =	vadd.f32 v13, v19  }
0x6e: {  	v12 =	vld [tilespmem:s29+$0x20];
	v13 =	vsel vm2, $0x0, v1;
	v16 =	vmul.f32 v20, v29  }
0x6f: {  	v14 =	vmul.f32 v19, v14;
	[tilespmem:v23+s20+$0x0] =	vst.idx.add.f32.msk vm4, v22;
	v20 =	vmul.f32 v13, v11  }
0x70: {  	v31 =	vmul.f32 $1.442695020e+00, v28;
	vm5 =	vne.s32 v7, v6;
	[tilespmem:v9+s20+$0x0] =	vst.idx.add.f32.msk vm3, v29;
	v15 =	vadd.f32 v16, v15  }
0x71: {  	vm0 =	vmmov vm0;
	[tilespmem:v9+s21+$0x0] =	vst.idx.add.f32.msk vm3, v17;
	v17 =	vsel vm5, $0x0, v1;
	v9 =	vadd.f32 v20, v26  }
0x72: {  	[tilespmem:v18+s20+$0x0] =	vst.idx.add.f32.msk vm1, v15;
	v22 =	vmul.f32 v27, v15;
	v15 =	vadd.f32 v14, v3;
	v3 =	vpop (erf);
	(erf) = vpow2.f32 v31  }
0x73: {  	v19 =	vld [tilespmem:s29+$0x8020];
	v63 =	vmul.f32 $1.442695020e+00, v12;
	v14 =	vmul.f32 v17, v9  }
0x74: {  	v62 =	vmul.f32 $1.442695020e+00, v61;
	vm3 =	vne.s32 v10, v7;
	v22 =	vadd.f32 v22, v3;
	v3 =	vld [tilespmem:s29+$0x10030]  }
0x75: {  	[tilespmem:v23+s21+$0x0] =	vst.idx.add.f32.msk vm4, v24;
	v16 =	vmul.f32 $1.442695020e+00, v8;
	(erf) = vpow2.f32 v63;
	v14 =	vadd.f32 v14, v30  }
0x76: {  	v20 =	vmul.f32 v26, v28;
	[tilespmem:v18+s21+$0x0] =	vst.idx.add.f32.msk vm1, v21;
	v18 =	vsel vm3, $0x0, v1;
	(erf) = vpow2.f32 v62  }
0x77: {  	s30 =	simm.s32 $0x4;
	s31 =	simm.s32 $0x100;
	s1 =	simm.s32 $0x80;
	v21 =	vmul.f32 v30, v61;
	vm1 =	vmmov vm5;
	[tilespmem:v4+s20+$0x0] =	vst.idx.add.f32.msk vm2, v22;
	v23 =	vmul.f32 v18, v14  }
.LBB2_16:
0x78: {  	s0 =	sand.u32 $0x40, s1;
	s26 =	sand.u32 $0x7F00, s31;
	s30 =	sadd.s32 $0x4, s30;
	[tilespmem:v2+s21+$0x0] =	vst.idx.add.f32.msk vm0, v5;
	v5 =	vmov v11;
	vm0 =	vmmov vm2  }
0x79: {  	v11 =	vadd.f32 v20, v15;
	v2 =	vmovc v4;
	p0 =	slt.u32 s30, $0x3FC;
	v23 =	vadd.f32 v23, v19;
	v15 =	vld [tilespmem:s29+$0x8030];
	s29 =	sor.u32 s0, s26;
	v4 =	vmov v3  }
0x7a: {  	v13 =	vmul.f32 v13, v22;
	vm4 =	vne.s32 v3, v10;
	v20 =	vld [tilespmem:s29+$0x10010]  }
0x7b: {  	v12 =	vmul.f32 v19, v12;
	v11 =	vadd.f32 v21, v11;
	v19 =	vsel vm4, $0x0, v1;
	v24 =	vld [tilespmem:s29+$0x10000];
	v21 =	vpop (erf)  }
0x7c: {  	v29 =	vmul.f32 v19, v23;
	v22 =	vld [tilespmem:s29+$0x8000];
	v21 =	vadd.f32 v13, v21  }
0x7d: {  	v26 =	vadd.f32 v12, v11;
	v25 =	vld [tilespmem:s29+$0x30];
	(erf) = vpow2.f32 v16  }
0x7e: {  	v27 =	vld [tilespmem:s29+$0x10];
	v16 =	vmul.f32 v17, v21;
	v11 =	vadd.f32 v29, v15;
	v8 =	vmul.f32 v15, v8;
	v17 =	vpop (erf)  }
0x7f: {  	v28 =	vld [tilespmem:s29+$0x0];
	v13 =	vpop (erf)  }
0x80: {  	v12 =	vld [tilespmem:s29+$0x20];
	v16 =	vadd.f32 v16, v13;
	v15 =	vadd.f32 v8, v26  }
0x81: {  	vm2 =	vne.s32 v24, v3;
	v26 =	vld [tilespmem:s29+$0x8010]  }
0x82: {  	vm5 =	vne.s32 v20, v24;
	v13 =	vsel vm2, $0x0, v1;
	[tilespmem:v7+s20+$0x0] =	vst.idx.add.f32.msk vm3, v16;
	v3 =	vmul.f32 v18, v16  }
0x83: {  	v31 =	vmul.f32 v13, v11;
	v8 =	vmovc v25;
	v29 =	vmul.f32 $1.442695020e+00, v27;
	[tilespmem:v7+s21+$0x0] =	vst.idx.add.f32.msk vm3, v14;
	v7 =	vmov v20  }
0x84: {  	v16 =	vmul.f32 $1.442695020e+00, v8;
	v14 =	vmul.f32 $1.442695020e+00, v28;
	v25 =	vld [tilespmem:s29+$0x10020];
	v3 =	vadd.f32 v3, v17  }
0x85: {  	v30 =	vadd.f32 v31, v22;
	v20 =	vmul.f32 v22, v28;
	[tilespmem:v6+s20+$0x0] =	vst.idx.add.f32.msk vm1, v21  }
0x86: {  	v17 =	vsel vm5, $0x0, v1;
	(erf) = vpow2.f32 v14;
	[tilespmem:v10+s20+$0x0] =	vst.idx.add.f32.msk vm4, v3;
	v14 =	vmul.f32 v19, v3;
	v18 =	vpop (erf)  }
.Ltmp7:
0x87: {  	v31 =	vmul.f32 $1.442695020e+00, v12;
	v28 =	vmul.f32 v17, v30;
	v19 =	vld [tilespmem:s29+$0x8020];
	(pc) =	sbr.rel @p0 .LBB2_16-.Ltmp7, $4  }
0x88: {  	v21 =	vmul.f32 v26, v27;
	v3 =	vld [tilespmem:s29+$0x10030];
	v22 =	vadd.f32 v14, v18  }
0x89: {  	v14 =	vadd.f32 v28, v26;
	vm3 =	vne.s32 v25, v7;
	(erf) = vpow2.f32 v31;
	[tilespmem:v10+s21+$0x0] =	vst.idx.add.f32.msk vm4, v23  }
0x8a: {  	v10 =	vmovc v25;
	v18 =	vsel vm3, $0x0, v1;
	(erf) = vpow2.f32 v29;
	[tilespmem:v6+s21+$0x0] =	vst.idx.add.f32.msk vm1, v9;
	v6 =	vmovc v24;
	v9 =	vmov v30  }
0x8b: {  	s31 =	sadd.s32 $0x80, s31;
	s1 =	sadd.s32 $0x40, s1;
	vm1 =	vmmov vm5;
	[tilespmem:v4+s20+$0x0] =	vst.idx.add.f32.msk vm2, v22;
	v23 =	vmul.f32 v18, v14  }
0x8c: {  	_ =	sdelay $0x1  }
0x8d: {  	v13 =	vmul.f32 v13, v22  }
0x8e: {  	v55 =	vpop (erf)  }
0x8f: {  	v13 =	vadd.f32 v13, v55;
	_ =	sdelay $0x1  }
0x90: {  	(erf) = vpow2.f32 v16;
	v17 =	vmul.f32 v17, v13;
	v56 =	vpop (erf)  }
0x91: {  	v57 =	vpop (erf)  }
0x92: {  	[tilespmem:v2+s21+$0x0] =	vst.idx.add.f32.msk vm0, v5;
	v16 =	vadd.f32 v17, v57  }
0x93: {  	v2 =	vadd.f32 v20, v15;
	v5 =	vld [tilespmem:s29+$0x8030];
	vm4 =	vne.s32 v3, v10  }
0x94: {  	v12 =	vmul.f32 v19, v12;
	[tilespmem:v4+s21+$0x0] =	vst.idx.add.f32.msk vm2, v11;
	v58 =	vmul.f32 v18, v16  }
0x95: {  	v59 =	vadd.f32 v23, v19;
	v2 =	vadd.f32 v21, v2;
	[tilespmem:v7+s20+$0x0] =	vst.idx.add.f32.msk vm3, v16  }
0x96: {  	v60 =	vsel vm4, $0x0, v1;
	[tilespmem:v7+s21+$0x0] =	vst.idx.add.f32.msk vm3, v14;
	v7 =	vadd.f32 v58, v56  }
0x97: {  	v61 =	vmul.f32 v60, v59;
	v2 =	vadd.f32 v12, v2;
	[tilespmem:v6+s20+$0x0] =	vst.idx.add.f32.msk vm1, v13  }
0x98: {  	v8 =	vmul.f32 v5, v8;
	[tilespmem:v6+s21+$0x0] =	vst.idx.add.f32.msk vm1, v9;
	v62 =	vmul.f32 v60, v7  }
0x99: {  	s0 =	simm.s32 $0x0;
	v63 =	vpop (erf);
	[tilespmem:v10+s20+$0x0] =	vst.idx.add.f32.msk vm4, v7;
	v7 =	vadd.f32 v61, v5  }
0x9a: {  	vm15 =	vmmov vm2;
	s1 =	simm.s32 $0x10;
	s30 =	sadd.s32 $0x0, s9;
	s29 =	simm.s32 $0x100;
	v5 =	vadd.f32 v8, v2;
	[tilespmem:v10+s21+$0x0] =	vst.idx.add.f32.msk vm4, v59;
	v6 =	vadd.f32 v62, v63  }
.LBB2_18:
0x9b: {  	[tilespmem:s0], [sflag:$0x1] =	stream.linear.gather [hbm4b:s30+s2], $0x80, $0x38;
	[tilespmem:$0x1C080] =	vst v63  }
0x9c: {  	s26 =	smov.u32 s1;
	s0 =	smov.u32 s29;
	p0 =	sne.s32 s1, $0x7F0  }
.Ltmp8:
0x9d: {  	s1 =	sadd.s32 $0x10, s1;
	(pc) =	sbr.rel @p0 .LBB2_18-.Ltmp8, $2  }
0x9e: {  	_ =	sdelay $0x2  }
0x9f: {  	s29 =	sadd.s32 $0x100, s29;
	s30 =	sadd.s32 s26, s9  }
0xa0: {  	[tilespmem:s0], [sflag:$0x1] =	stream.linear.gather [hbm4b:s30+s2], $0x80, $0x38;
	[tilespmem:$0x1C080] =	vst v63  }
0xa1: {  	s0 =	simm.s32 $0x8000  }
0xa2: {  	s1 =	simm.s32 $0x10;
	s30 =	sadd.s32 $0x0, s10;
	s29 =	simm.s32 $0x8100  }
.LBB2_20:
0xa3: {  	[tilespmem:s0], [sflag:$0x1] =	stream.linear.gather [hbm4b:s30+s2], $0x80, $0x38;
	[tilespmem:$0x1C080] =	vst v63  }
0xa4: {  	s26 =	smov.u32 s1;
	s0 =	smov.u32 s29;
	p0 =	sne.s32 s1, $0x7F0  }
.Ltmp9:
0xa5: {  	s1 =	sadd.s32 $0x10, s1;
	(pc) =	sbr.rel @p0 .LBB2_20-.Ltmp9, $2  }
0xa6: {  	_ =	sdelay $0x2  }
0xa7: {  	s29 =	sadd.s32 $0x100, s29;
	s30 =	sadd.s32 s26, s10  }
0xa8: {  	[tilespmem:s0], [sflag:$0x1] =	stream.linear.gather [hbm4b:s30+s2], $0x80, $0x38;
	[tilespmem:$0x1C080] =	vst v63  }
0xa9: {  	s0 =	simm.s32 $0x10000  }
0xaa: {  	s1 =	simm.s32 $0x10;
	s30 =	sadd.s32 $0x0, s11;
	s29 =	simm.s32 $0x10100  }
.LBB2_22:
0xab: {  	[tilespmem:s0], [sflag:$0x1] =	stream.linear.gather [hbm4b:s30+s2], $0x80, $0x38;
	[tilespmem:$0x1C080] =	vst v63  }
0xac: {  	s26 =	smov.u32 s1;
	s0 =	smov.u32 s29;
	p0 =	sne.s32 s1, $0x7F0  }
.Ltmp10:
0xad: {  	s1 =	sadd.s32 $0x10, s1;
	(pc) =	sbr.rel @p0 .LBB2_22-.Ltmp10, $2  }
0xae: {  	_ =	sdelay $0x2  }
0xaf: {  	s29 =	sadd.s32 $0x100, s29;
	s30 =	sadd.s32 s26, s11  }
0xb0: {  	[tilespmem:s0], [sflag:$0x1] =	stream.linear.gather [hbm4b:s30+s2], $0x80, $0x38;
	[tilespmem:$0x1C080] =	vst v63  }
0xb1: {  	_ =	swait.ge [sflag:s22], $0x4000  }
0xb2: {  	[sflag:s22] =	ssyncset.done $0x0  }
0xb3: {  	[sflag:s22] =	ssyncadd.s32 $0xFFFFC000  }
0xb4: {  	_ =	swait.ge [sflag:s22], $0x4000  }
0xb5: {  	p0 =	por $0x0, $0x0;
	s0 =	simm.s32 $0x1;
	[sflag:s22] =	ssyncset.done $0x0  }
0xb6: {  	s0 =	simm.s32 @!p0 $0x0;
	[sflag:s22] =	ssyncadd.s32 $0xFFFFC000  }
0xb7: {  	s0 =	sshll.u32 s0, $0x6;
	_ =	swait.ge [sflag:s22], $0x4000  }
0xb8: {  	s0 =	sadd.s32 $0x0, s0;
	[sflag:s22] =	ssyncset.done $0x0  }
0xb9: {  	s1 =	sor.u32 $0x80, s0;
	[sflag:s22] =	ssyncadd.s32 $0xFFFFC000  }
0xba: {  	v11 =	vld [tilespmem:s1+$0x0];
	_ =	sdelay $0x2  }
0xbb: {  	s26 =	sor.u32 $0x90, s0  }
0xbc: {  	v8 =	vld [tilespmem:s26+$0x0]  }
0xbd: {  	v4 =	vld [tilespmem:s1+$0x10000];
	v2 =	vmul.f32 $1.442695020e+00, v11  }
0xbe: {  	s29 =	sor.u32 $0xA0, s0  }
0xbf: {  	v9 =	vld [tilespmem:s29+$0x0];
	(erf) = vpow2.f32 v2;
	_ =	sdelay $0x1  }
0xc0: {  	v15 =	vld [tilespmem:s1+$0x8000];
	v10 =	vmul.f32 $1.442695020e+00, v8  }
0xc1: {  	s1 =	sor.u32 $0xB0, s0;
	v12 =	vld [tilespmem:s26+$0x10000];
	vm0 =	vne.s32 v4, v3  }
0xc2: {  	v13 =	vld [tilespmem:s1+$0x0];
	(erf) = vpow2.f32 v10  }
0xc3: {  	v14 =	vld [tilespmem:s26+$0x8000];
	v16 =	vsel vm0, $0x0, v1;
	v2 =	vmul.f32 $1.442695020e+00, v9  }
0xc4: {  	v17 =	vmul.f32 v16, v6;
	v10 =	vld [tilespmem:s29+$0x10000]  }
0xc5: {  	s30 =	simm.s32 $0x0;
	s31 =	simm.s32 $0x0;
	p0 =	por !p0, !p0;
	v16 =	vmul.f32 v16, v7;
	(erf) = vpow2.f32 v2;
	v2 =	vld [tilespmem:s1+$0x10000]  }
.LBB2_24:
0xc6: {  	s0 =	simm.s32 $0x1  }
0xc7: {  	s31 =	sadd.s32 $0x4, s31;
	v18 =	vpop (erf);
	s0 =	simm.s32 @!p0 $0x0;
	[tilespmem:v3+s20+$0x0] =	vst.idx.add.f32.msk vm0, v6;
	v6 =	vmul.f32 v15, v11;
	v11 =	vmul.f32 $1.442695020e+00, v13  }
0xc8: {  	s30 =	sadd.s32 $0x80, s30;
	p1 =	slt.u32 s31, $0x3FC;
	v17 =	vadd.f32 v17, v18;
	v15 =	vadd.f32 v16, v15;
	vm1 =	vne.s32 v12, v4;
	s0 =	sshll.u32 s0, $0x6;
	v16 =	vld [tilespmem:s1+$0x8000]  }
0xc9: {  	v22 =	vsel vm1, $0x0, v1;
	s1 =	sadd.s32 s0, s30;
	[tilespmem:v3+s21+$0x0] =	vst.idx.add.f32.msk vm0, v7;
	vm0 =	vne.s32 v10, v12;
	(erf) = vpow2.f32 v11  }
0xca: {  	v7 =	vmul.f32 v22, v17;
	v18 =	vmul.f32 v22, v15;
	s26 =	sor.u32 $0x80, s1;
	v19 =	vld [tilespmem:s29+$0x8000]  }
0xcb: {  	v20 =	vmul.f32 v14, v8;
	s0 =	sor.u32 $0x90, s1;
	v3 =	vmov v2;
	v11 =	vld [tilespmem:s26+$0x0];
	v21 =	vpop (erf)  }
0xcc: {  	s29 =	sor.u32 $0xA0, s1;
	vm2 =	vne.s32 v2, v10;
	v14 =	vadd.f32 v18, v14;
	v8 =	vld [tilespmem:s0+$0x0];
	v7 =	vadd.f32 v7, v21  }
0xcd: {  	v5 =	vadd.f32 v6, v5;
	v6 =	vsel vm0, $0x0, v1;
	v18 =	vld [tilespmem:s29+$0x0];
	v13 =	vmul.f32 v16, v13  }
0xce: {  	v21 =	vld [tilespmem:s26+$0x10000];
	v22 =	vmul.f32 v6, v7;
	v6 =	vmul.f32 v6, v14;
	v23 =	vpop (erf)  }
0xcf: {  	v5 =	vadd.f32 v20, v5;
	[tilespmem:v12+s20+$0x0] =	vst.idx.add.f32.msk vm0, v7;
	v7 =	vmul.f32 v19, v9  }
0xd0: {  	v20 =	vmul.f32 $1.442695020e+00, v11;
	[tilespmem:v12+s21+$0x0] =	vst.idx.add.f32.msk vm0, v14;
	v12 =	vadd.f32 v22, v23;
	v6 =	vadd.f32 v6, v19  }
0xd1: {  	v14 =	vmul.f32 $1.442695020e+00, v8;
	[tilespmem:v4+s20+$0x0] =	vst.idx.add.f32.msk vm1, v17;
	v5 =	vadd.f32 v7, v5;
	v7 =	vsel vm2, $0x0, v1  }
0xd2: {  	(erf) = vpow2.f32 v20;
	[tilespmem:v10+s20+$0x0] =	vst.idx.add.f32.msk vm2, v12;
	v12 =	vmul.f32 v7, v12;
	v17 =	vpop (erf);
	v9 =	vmov v18  }
0xd3: {  	v7 =	vmul.f32 v7, v6;
	vm0 =	vne.s32 v21, v2;
	v2 =	vmul.f32 $1.442695020e+00, v9;
	[tilespmem:v10+s21+$0x0] =	vst.idx.add.f32.msk vm2, v6  }
0xd4: {  	v5 =	vadd.f32 v13, v5;
	v18 =	vsel vm0, $0x0, v1;
	[tilespmem:v4+s21+$0x0] =	vst.idx.add.f32.msk vm1, v15;
	v6 =	vadd.f32 v12, v17  }
0xd5: {  	s1 =	sor.u32 $0xB0, s1;
	v7 =	vadd.f32 v7, v16;
	v4 =	vmov v21;
	v15 =	vld [tilespmem:s26+$0x8000]  }
.Ltmp11:
0xd6: {  	v13 =	vld [tilespmem:s1+$0x0];
	(erf) = vpow2.f32 v14;
	(pc) =	sbr.rel @p1 .LBB2_24-.Ltmp11, $4  }
0xd7: {  	v12 =	vld [tilespmem:s0+$0x10000]  }
0xd8: {  	v10 =	vld [tilespmem:s29+$0x10000]  }
0xd9: {  	v14 =	vld [tilespmem:s0+$0x8000];
	(erf) = vpow2.f32 v2  }
0xda: {  	p0 =	por !p0, !p0;
	v17 =	vmul.f32 v18, v6;
	v16 =	vmul.f32 v18, v7;
	v2 =	vld [tilespmem:s1+$0x10000]  }
0xdb: {  	_ =	sdelay $0x2  }
0xdc: {  	v18 =	vpop (erf)  }
0xdd: {  	v17 =	vadd.f32 v17, v18;
	vm1 =	vne.s32 v12, v4;
	v16 =	vadd.f32 v16, v15  }
0xde: {  	v19 =	vmul.f32 $1.442695020e+00, v13;
	[tilespmem:v3+s20+$0x0] =	vst.idx.add.f32.msk vm0, v6;
	v11 =	vmul.f32 v15, v11;
	v57 =	vsel vm1, $0x0, v1  }
0xdf: {  	v60 =	vld [tilespmem:s29+$0x8000];
	vm2 =	vne.s32 v10, v12;
	v58 =	vmul.f32 v57, v17;
	v6 =	vmul.f32 v57, v16  }
0xe0: {  	(erf) = vpow2.f32 v19;
	v5 =	vadd.f32 v11, v5;
	v59 =	vpop (erf)  }
0xe1: {  	v18 =	vadd.f32 v58, v59;
	v6 =	vadd.f32 v6, v14  }
0xe2: {  	v61 =	vld [tilespmem:s1+$0x8000];
	v20 =	vsel vm2, $0x0, v1;
	v8 =	vmul.f32 v14, v8;
	vm3 =	vne.s32 v2, v10  }
0xe3: {  	[tilespmem:v3+s21+$0x0] =	vst.idx.add.f32.msk vm0, v7;
	v62 =	vmul.f32 v20, v18;
	v3 =	vmul.f32 v20, v6  }
0xe4: {  	v5 =	vadd.f32 v8, v5;
	v8 =	vmul.f32 v60, v9;
	v7 =	vpop (erf)  }
0xe5: {  	[tilespmem:v12+s20+$0x0] =	vst.idx.add.f32.msk vm2, v18;
	v7 =	vadd.f32 v62, v7;
	v3 =	vadd.f32 v3, v60  }
0xe6: {  	[tilespmem:v12+s21+$0x0] =	vst.idx.add.f32.msk vm2, v6;
	v6 =	vsel vm3, $0x0, v1  }
0xe7: {  	[tilespmem:v4+s20+$0x0] =	vst.idx.add.f32.msk vm1, v17;
	v5 =	vadd.f32 v8, v5;
	v8 =	vmul.f32 v6, v3  }
0xe8: {  	v63 =	vmul.f32 v61, v13;
	v11 =	vmul.f32 v6, v7;
	[tilespmem:v10+s20+$0x0] =	vst.idx.add.f32.msk vm3, v7  }
0xe9: {  	s0 =	simm.s32 $0x80;
	[tilespmem:v10+s21+$0x0] =	vst.idx.add.f32.msk vm3, v3;
	v7 =	vpop (erf);
	v3 =	vadd.f32 v8, v61  }
0xea: {  	s1 =	simm.s32 $0x10;
	s30 =	sadd.s32 $0x0, s12;
	s29 =	simm.s32 $0x180;
	[tilespmem:v4+s21+$0x0] =	vst.idx.add.f32.msk vm1, v16;
	v4 =	vadd.f32 v63, v5;
	v6 =	vadd.f32 v11, v7  }
.LBB2_26:
0xeb: {  	[tilespmem:s0], [sflag:$0x2] =	stream.linear.gather [hbm4b:s30+s2], $0x80, $0x38;
	[tilespmem:$0x1C080] =	vst v63  }
0xec: {  	s26 =	smov.u32 s1;
	s0 =	smov.u32 s29;
	p0 =	sne.s32 s1, $0x7F0  }
.Ltmp12:
0xed: {  	s1 =	sadd.s32 $0x10, s1;
	(pc) =	sbr.rel @p0 .LBB2_26-.Ltmp12, $2  }
0xee: {  	_ =	sdelay $0x2  }
0xef: {  	s29 =	sadd.s32 $0x100, s29;
	s30 =	sadd.s32 s26, s12  }
0xf0: {  	[tilespmem:s0], [sflag:$0x2] =	stream.linear.gather [hbm4b:s30+s2], $0x80, $0x38;
	[tilespmem:$0x1C080] =	vst v63  }
0xf1: {  	s0 =	simm.s32 $0x8080  }
0xf2: {  	s1 =	simm.s32 $0x10;
	s30 =	sadd.s32 $0x0, s13;
	s29 =	simm.s32 $0x8180  }
.LBB2_28:
0xf3: {  	[tilespmem:s0], [sflag:$0x2] =	stream.linear.gather [hbm4b:s30+s2], $0x80, $0x38;
	[tilespmem:$0x1C080] =	vst v63  }
0xf4: {  	s26 =	smov.u32 s1;
	s0 =	smov.u32 s29;
	p0 =	sne.s32 s1, $0x7F0  }
.Ltmp13:
0xf5: {  	s1 =	sadd.s32 $0x10, s1;
	(pc) =	sbr.rel @p0 .LBB2_28-.Ltmp13, $2  }
0xf6: {  	_ =	sdelay $0x2  }
0xf7: {  	s29 =	sadd.s32 $0x100, s29;
	s30 =	sadd.s32 s26, s13  }
0xf8: {  	[tilespmem:s0], [sflag:$0x2] =	stream.linear.gather [hbm4b:s30+s2], $0x80, $0x38;
	[tilespmem:$0x1C080] =	vst v63  }
0xf9: {  	s0 =	simm.s32 $0x10080  }
0xfa: {  	s1 =	simm.s32 $0x10;
	s30 =	sadd.s32 $0x0, s14;
	s29 =	simm.s32 $0x10180  }
.LBB2_30:
0xfb: {  	[tilespmem:s0], [sflag:$0x2] =	stream.linear.gather [hbm4b:s30+s2], $0x80, $0x38;
	[tilespmem:$0x1C080] =	vst v63  }
0xfc: {  	s26 =	smov.u32 s1;
	s0 =	smov.u32 s29;
	p0 =	sne.s32 s1, $0x7F0  }
.Ltmp14:
0xfd: {  	s1 =	sadd.s32 $0x10, s1;
	(pc) =	sbr.rel @p0 .LBB2_30-.Ltmp14, $2  }
0xfe: {  	_ =	sdelay $0x2  }
0xff: {  	s29 =	sadd.s32 $0x100, s29;
	s30 =	sadd.s32 s26, s14  }
0x100: {  	[tilespmem:s0], [sflag:$0x2] =	stream.linear.gather [hbm4b:s30+s2], $0x80, $0x38;
	[tilespmem:$0x1C080] =	vst v63  }
0x101: {  	_ =	swait.ge [sflag:s19], $0x4000  }
0x102: {  	[sflag:s19] =	ssyncset.done $0x0  }
0x103: {  	[sflag:s19] =	ssyncadd.s32 $0xFFFFC000  }
0x104: {  	_ =	swait.ge [sflag:s19], $0x4000  }
0x105: {  	[sflag:s19] =	ssyncset.done $0x0  }
0x106: {  	[sflag:s19] =	ssyncadd.s32 $0xFFFFC000  }
0x107: {  	s26 =	simm.s32 $0x0;
	_ =	swait.ge [sflag:s19], $0x4000  }
0x108: {  	s1 =	sand.u32 $0x40, s26;
	s0 =	sand.u32 $0x7F00, s26;
	[sflag:s19] =	ssyncset.done $0x0  }
0x109: {  	s0 =	sor.u32 s1, s0;
	[sflag:s19] =	ssyncadd.s32 $0xFFFFC000  }
0x10a: {  	v7 =	vld [tilespmem:s0+$0x0]  }
0x10b: {  	v23 =	vld [tilespmem:s0+$0x10000]  }
0x10c: {  	v10 =	vld [tilespmem:s0+$0x10010]  }
0x10d: {  	v11 =	vld [tilespmem:s0+$0x20]  }
0x10e: {  	v9 =	vld [tilespmem:s0+$0x10]  }
0x10f: {  	v12 =	vld [tilespmem:s0+$0x8000];
	v5 =	vmul.f32 $1.442695020e+00, v7  }
0x110: {  	vm0 =	vne.s32 v23, v2  }
0x111: {  	v13 =	vsel vm0, $0x0, v1;
	(erf) = vpow2.f32 v5  }
0x112: {  	v14 =	vld [tilespmem:s0+$0x8010];
	v8 =	vmul.f32 $1.442695020e+00, v11;
	v5 =	vmul.f32 v13, v3  }
0x113: {  	v18 =	vld [tilespmem:s0+$0x10020];
	v15 =	vmul.f32 $1.442695020e+00, v9  }
0x114: {  	v16 =	vld [tilespmem:s0+$0x30];
	vm1 =	vne.s32 v10, v23;
	(erf) = vpow2.f32 v8;
	v24 =	vadd.f32 v5, v12  }
0x115: {  	s26 =	simm.s32 $0x40;
	s1 =	simm.s32 $0x80;
	v19 =	vld [tilespmem:s0+$0x8020];
	v17 =	vsel vm1, $0x0, v1;
	(erf) = vpow2.f32 v15  }
0x116: {  	s26 =	sand.u32 $0x40, s26;
	s1 =	sand.u32 $0x7F00, s1;
	v21 =	vld [tilespmem:s0+$0x8030];
	v8 =	vmul.f32 v17, v24  }
0x117: {  	s29 =	sor.u32 s26, s1;
	v5 =	vld [tilespmem:s0+$0x10030]  }
0x118: {  	v27 =	vld [tilespmem:s29+$0x8000];
	vm3 =	vne.s32 v18, v10;
	v20 =	vadd.f32 v8, v14  }
0x119: {  	v60 =	vld [tilespmem:s29+$0x10];
	v22 =	vsel vm3, $0x0, v1;
	v13 =	vmul.f32 v13, v6;
	v12 =	vmul.f32 v12, v7  }
0x11a: {  	v26 =	vmul.f32 $1.442695020e+00, v16;
	[tilespmem:v2+s20+$0x0] =	vst.idx.add.f32.msk vm0, v6;
	v15 =	vmul.f32 v22, v20;
	v25 =	vpop (erf)  }
0x11b: {  	v6 =	vld [tilespmem:s29+$0x10000];
	v4 =	vadd.f32 v12, v4;
	v13 =	vadd.f32 v13, v25  }
0x11c: {  	v29 =	vld [tilespmem:s29+$0x0];
	vm2 =	vne.s32 v5, v18;
	(erf) = vpow2.f32 v26;
	v59 =	vadd.f32 v15, v19  }
0x11d: {  	v31 =	vld [tilespmem:s29+$0x8010];
	v14 =	vmul.f32 v14, v9;
	v28 =	vsel vm2, $0x0, v1;
	v9 =	vmul.f32 v17, v13;
	v17 =	vpop (erf)  }
0x11e: {  	vm4 =	vmmov vm1;
	v8 =	vld [tilespmem:s29+$0x10010];
	v12 =	vmul.f32 v28, v59;
	v15 =	vpop (erf)  }
0x11f: {  	v11 =	vmul.f32 v19, v11;
	v7 =	vld [tilespmem:s29+$0x30];
	v4 =	vadd.f32 v14, v4;
	v30 =	vadd.f32 v9, v15  }
0x120: {  	vm1 =	vne.s32 v6, v5;
	v9 =	vld [tilespmem:s29+$0x20];
	v12 =	vadd.f32 v12, v21  }
0x121: {  	v4 =	vadd.f32 v11, v4;
	v15 =	vsel vm1, $0x0, v1;
	[tilespmem:v10+s20+$0x0] =	vst.idx.add.f32.msk vm3, v30;
	v14 =	vmul.f32 v22, v30  }
0x122: {  	v16 =	vmul.f32 v21, v16;
	v19 =	vmul.f32 v15, v12;
	[tilespmem:v10+s21+$0x0] =	vst.idx.add.f32.msk vm3, v20  }
0x123: {  	vm5 =	vne.s32 v8, v6;
	v10 =	vld [tilespmem:s29+$0x10020];
	v14 =	vadd.f32 v14, v17;
	v17 =	vmul.f32 $1.442695020e+00, v29  }
0x124: {  	vm0 =	vmmov vm0;
	[tilespmem:v23+s20+$0x0] =	vst.idx.add.f32.msk vm4, v13;
	v13 =	vadd.f32 v16, v4;
	v11 =	vadd.f32 v19, v27  }
0x125: {  	v20 =	vsel vm5, $0x0, v1;
	v4 =	vpop (erf);
	[tilespmem:v18+s20+$0x0] =	vst.idx.add.f32.msk vm2, v14;
	v21 =	vmul.f32 v28, v14;
	(erf) = vpow2.f32 v17  }
0x126: {  	v63 =	vmul.f32 $1.442695020e+00, v9;
	v62 =	vmul.f32 v20, v11;
	v14 =	vld [tilespmem:s29+$0x8020]  }
0x127: {  	v61 =	vmul.f32 $1.442695020e+00, v60;
	v16 =	vmul.f32 v27, v29;
	v22 =	vadd.f32 v21, v4;
	v4 =	vld [tilespmem:s29+$0x10030]  }
0x128: {  	[tilespmem:v23+s21+$0x0] =	vst.idx.add.f32.msk vm4, v24;
	(erf) = vpow2.f32 v63;
	v17 =	vadd.f32 v62, v31;
	vm3 =	vne.s32 v10, v8  }
0x129: {  	v19 =	vmul.f32 $1.442695020e+00, v7;
	[tilespmem:v18+s21+$0x0] =	vst.idx.add.f32.msk vm2, v59;
	(erf) = vpow2.f32 v61;
	v21 =	vsel vm3, $0x0, v1  }
0x12a: {  	s30 =	simm.s32 $0x4;
	s31 =	simm.s32 $0x100;
	s1 =	simm.s32 $0x80;
	v18 =	vmul.f32 v31, v60;
	vm2 =	vmmov vm5;
	[tilespmem:v5+s20+$0x0] =	vst.idx.add.f32.msk vm1, v22;
	v23 =	vmul.f32 v21, v17  }
.LBB2_32:
0x12b: {  	s0 =	sand.u32 $0x40, s1;
	s26 =	sand.u32 $0x7F00, s31;
	s30 =	sadd.s32 $0x4, s30;
	[tilespmem:v2+s21+$0x0] =	vst.idx.add.f32.msk vm0, v3;
	v3 =	vmov v12;
	vm0 =	vmmov vm1  }
0x12c: {  	p0 =	slt.u32 s30, $0x3FC;
	v23 =	vadd.f32 v23, v14;
	v12 =	vadd.f32 v16, v13;
	v2 =	vmovc v5;
	v5 =	vmov v4;
	v13 =	vld [tilespmem:s29+$0x8030];
	s29 =	sor.u32 s0, s26  }
0x12d: {  	v15 =	vmul.f32 v15, v22;
	vm4 =	vne.s32 v4, v10;
	v16 =	vld [tilespmem:s29+$0x10010]  }
0x12e: {  	v9 =	vmul.f32 v14, v9;
	v14 =	vsel vm4, $0x0, v1;
	v12 =	vadd.f32 v18, v12;
	v24 =	vld [tilespmem:s29+$0x10000];
	v18 =	vpop (erf)  }
0x12f: {  	v22 =	vld [tilespmem:s29+$0x8000];
	v18 =	vadd.f32 v15, v18;
	v15 =	vmul.f32 v14, v23  }
0x130: {  	v26 =	vadd.f32 v9, v12;
	v25 =	vld [tilespmem:s29+$0x30];
	(erf) = vpow2.f32 v19  }
0x131: {  	v27 =	vld [tilespmem:s29+$0x10];
	v19 =	vmul.f32 v20, v18;
	v12 =	vadd.f32 v15, v13;
	v7 =	vmul.f32 v13, v7;
	v20 =	vpop (erf)  }
0x132: {  	v28 =	vld [tilespmem:s29+$0x0];
	v13 =	vpop (erf)  }
0x133: {  	v9 =	vld [tilespmem:s29+$0x20];
	v19 =	vadd.f32 v19, v13;
	v13 =	vadd.f32 v7, v26  }
0x134: {  	vm1 =	vne.s32 v24, v4;
	v26 =	vld [tilespmem:s29+$0x8010]  }
0x135: {  	vm5 =	vne.s32 v16, v24;
	v15 =	vsel vm1, $0x0, v1;
	[tilespmem:v8+s20+$0x0] =	vst.idx.add.f32.msk vm3, v19;
	v4 =	vmul.f32 v21, v19  }
0x136: {  	v31 =	vmul.f32 v15, v12;
	v7 =	vmovc v25;
	v29 =	vmul.f32 $1.442695020e+00, v27;
	[tilespmem:v8+s21+$0x0] =	vst.idx.add.f32.msk vm3, v17;
	v8 =	vmov v16  }
0x137: {  	v19 =	vmul.f32 $1.442695020e+00, v7;
	v17 =	vmul.f32 $1.442695020e+00, v28;
	v25 =	vld [tilespmem:s29+$0x10020];
	v4 =	vadd.f32 v4, v20  }
0x138: {  	v30 =	vadd.f32 v31, v22;
	v16 =	vmul.f32 v22, v28;
	[tilespmem:v6+s20+$0x0] =	vst.idx.add.f32.msk vm2, v18  }
0x139: {  	v20 =	vsel vm5, $0x0, v1;
	(erf) = vpow2.f32 v17;
	[tilespmem:v10+s20+$0x0] =	vst.idx.add.f32.msk vm4, v4;
	v17 =	vmul.f32 v14, v4;
	v21 =	vpop (erf)  }
.Ltmp15:
0x13a: {  	v31 =	vmul.f32 $1.442695020e+00, v9;
	v28 =	vmul.f32 v20, v30;
	v14 =	vld [tilespmem:s29+$0x8020];
	(pc) =	sbr.rel @p0 .LBB2_32-.Ltmp15, $4  }
0x13b: {  	v18 =	vmul.f32 v26, v27;
	v4 =	vld [tilespmem:s29+$0x10030];
	v22 =	vadd.f32 v17, v21  }
0x13c: {  	v17 =	vadd.f32 v28, v26;
	vm3 =	vne.s32 v25, v8;
	(erf) = vpow2.f32 v31;
	[tilespmem:v10+s21+$0x0] =	vst.idx.add.f32.msk vm4, v23  }
0x13d: {  	v10 =	vmovc v25;
	v21 =	vsel vm3, $0x0, v1;
	(erf) = vpow2.f32 v29;
	[tilespmem:v6+s21+$0x0] =	vst.idx.add.f32.msk vm2, v11;
	v6 =	vmovc v24;
	v11 =	vmov v30  }
0x13e: {  	s31 =	sadd.s32 $0x80, s31;
	s1 =	sadd.s32 $0x40, s1;
	vm2 =	vmmov vm5;
	[tilespmem:v5+s20+$0x0] =	vst.idx.add.f32.msk vm1, v22;
	v23 =	vmul.f32 v21, v17  }
0x13f: {  	_ =	sdelay $0x2  }
0x140: {  	v15 =	vmul.f32 v15, v22  }
0x141: {  	v61 =	vpop (erf)  }
0x142: {  	v15 =	vadd.f32 v15, v61  }
0x143: {  	v62 =	vpop (erf)  }
0x144: {  	v20 =	vmul.f32 v20, v15;
	v24 =	vpop (erf);
	(erf) = vpow2.f32 v19  }
0x145: {  	[tilespmem:v2+s21+$0x0] =	vst.idx.add.f32.msk vm0, v3  }
0x146: {  	v63 =	vld [tilespmem:s29+$0x8030];
	vm4 =	vne.s32 v4, v10;
	v19 =	vadd.f32 v20, v24  }
0x147: {  	[tilespmem:v5+s21+$0x0] =	vst.idx.add.f32.msk vm1, v12  }
0x148: {  	[tilespmem:v6+s20+$0x0] =	vst.idx.add.f32.msk vm2, v15;
	v2 =	vmul.f32 v21, v19  }
0x149: {  	[tilespmem:v8+s20+$0x0] =	vst.idx.add.f32.msk vm3, v19  }
0x14a: {  	[tilespmem:v8+s21+$0x0] =	vst.idx.add.f32.msk vm3, v17;
	v17 =	vadd.f32 v2, v62  }
0x14b: {  	[tilespmem:v6+s21+$0x0] =	vst.idx.add.f32.msk vm2, v11;
	v19 =	vadd.f32 v23, v14  }
0x14c: {  	[tilespmem:v10+s20+$0x0] =	vst.idx.add.f32.msk vm4, v17  }
0x14d: {  	[tilespmem:v10+s21+$0x0] =	vst.idx.add.f32.msk vm4, v19;
	v6 =	vpop (erf)  }
0x14e: {  	_ =	swait.ge [sflag:s22], $0x4000  }
0x14f: {  	[sflag:s22] =	ssyncset.done $0x0  }
0x150: {  	[sflag:s22] =	ssyncadd.s32 $0xFFFFC000  }
0x151: {  	_ =	swait.ge [sflag:s22], $0x4000  }
0x152: {  	p0 =	por $0x0, $0x0;
	s0 =	simm.s32 $0x1;
	[sflag:s22] =	ssyncset.done $0x0  }
0x153: {  	s0 =	simm.s32 @!p0 $0x0;
	[sflag:s22] =	ssyncadd.s32 $0xFFFFC000  }
0x154: {  	s0 =	sshll.u32 s0, $0x6;
	_ =	swait.ge [sflag:s22], $0x4000  }
0x155: {  	s0 =	sadd.s32 $0x0, s0;
	[sflag:s22] =	ssyncset.done $0x0  }
0x156: {  	s1 =	sor.u32 $0x80, s0;
	[sflag:s22] =	ssyncadd.s32 $0xFFFFC000  }
0x157: {  	v8 =	vld [tilespmem:s1+$0x0];
	_ =	sdelay $0x2  }
0x158: {  	s26 =	sor.u32 $0x90, s0  }
0x159: {  	v3 =	vld [tilespmem:s26+$0x0]  }
0x15a: {  	v2 =	vld [tilespmem:s1+$0x10000];
	v15 =	vmul.f32 $1.442695020e+00, v8  }
0x15b: {  	s29 =	sor.u32 $0xA0, s0;
	v10 =	vadd.f32 v16, v13  }
0x15c: {  	v11 =	vsel vm4, $0x0, v1;
	v5 =	vld [tilespmem:s29+$0x0];
	(erf) = vpow2.f32 v15  }
0x15d: {  	v9 =	vmul.f32 v14, v9;
	v12 =	vmul.f32 v11, v19;
	v10 =	vadd.f32 v18, v10  }
0x15e: {  	vm0 =	vmmov vm1;
	v11 =	vmul.f32 v11, v17;
	v14 =	vld [tilespmem:s1+$0x8000];
	v17 =	vmul.f32 $1.442695020e+00, v3  }
0x15f: {  	v16 =	vadd.f32 v9, v10;
	s1 =	sor.u32 $0xB0, s0;
	v10 =	vld [tilespmem:s26+$0x10000];
	vm0 =	vne.s32 v2, v4  }
0x160: {  	v7 =	vmul.f32 v63, v7;
	v13 =	vadd.f32 v12, v63;
	v9 =	vld [tilespmem:s1+$0x0];
	(erf) = vpow2.f32 v17  }
0x161: {  	v12 =	vld [tilespmem:s26+$0x8000];
	v18 =	vmul.f32 $1.442695020e+00, v5;
	v19 =	vsel vm0, $0x0, v1;
	v15 =	vadd.f32 v11, v6  }
0x162: {  	v6 =	vld [tilespmem:s29+$0x10000];
	v11 =	vadd.f32 v7, v16;
	v16 =	vmul.f32 v19, v13  }
0x163: {  	s30 =	simm.s32 $0x0;
	s31 =	simm.s32 $0x0;
	p0 =	por !p0, !p0;
	v7 =	vld [tilespmem:s1+$0x10000];
	(erf) = vpow2.f32 v18;
	v17 =	vmul.f32 v19, v15  }
.LBB2_34:
0x164: {  	s0 =	simm.s32 $0x1  }
0x165: {  	s31 =	sadd.s32 $0x4, s31;
	v18 =	vpop (erf);
	s0 =	simm.s32 @!p0 $0x0;
	[tilespmem:v4+s20+$0x0] =	vst.idx.add.f32.msk vm0, v15;
	v15 =	vmul.f32 v14, v8;
	v8 =	vmul.f32 $1.442695020e+00, v9  }
0x166: {  	s30 =	sadd.s32 $0x80, s30;
	p1 =	slt.u32 s31, $0x3FC;
	v17 =	vadd.f32 v17, v18;
	v14 =	vadd.f32 v16, v14;
	vm1 =	vne.s32 v10, v2;
	s0 =	sshll.u32 s0, $0x6;
	v16 =	vld [tilespmem:s1+$0x8000]  }
0x167: {  	v22 =	vsel vm1, $0x0, v1;
	s1 =	sadd.s32 s0, s30;
	[tilespmem:v4+s21+$0x0] =	vst.idx.add.f32.msk vm0, v13;
	vm0 =	vne.s32 v6, v10;
	(erf) = vpow2.f32 v8  }
0x168: {  	v13 =	vmul.f32 v22, v17;
	v18 =	vmul.f32 v22, v14;
	s26 =	sor.u32 $0x80, s1;
	v19 =	vld [tilespmem:s29+$0x8000]  }
0x169: {  	v20 =	vmul.f32 v12, v3;
	s0 =	sor.u32 $0x90, s1;
	v4 =	vmov v7;
	v8 =	vld [tilespmem:s26+$0x0];
	v21 =	vpop (erf)  }
0x16a: {  	s29 =	sor.u32 $0xA0, s1;
	vm2 =	vne.s32 v7, v6;
	v12 =	vadd.f32 v18, v12;
	v3 =	vld [tilespmem:s0+$0x0];
	v13 =	vadd.f32 v13, v21  }
0x16b: {  	v11 =	vadd.f32 v15, v11;
	v15 =	vsel vm0, $0x0, v1;
	v18 =	vld [tilespmem:s29+$0x0];
	v9 =	vmul.f32 v16, v9  }
0x16c: {  	v21 =	vld [tilespmem:s26+$0x10000];
	v22 =	vmul.f32 v15, v13;
	v15 =	vmul.f32 v15, v12;
	v23 =	vpop (erf)  }
0x16d: {  	v11 =	vadd.f32 v20, v11;
	[tilespmem:v10+s20+$0x0] =	vst.idx.add.f32.msk vm0, v13;
	v24 =	vmul.f32 v19, v5  }
0x16e: {  	v20 =	vmul.f32 $1.442695020e+00, v8;
	[tilespmem:v10+s21+$0x0] =	vst.idx.add.f32.msk vm0, v12;
	v10 =	vadd.f32 v22, v23;
	v12 =	vadd.f32 v15, v19  }
0x16f: {  	v15 =	vsel vm2, $0x0, v1;
	v19 =	vmul.f32 $1.442695020e+00, v3;
	[tilespmem:v2+s20+$0x0] =	vst.idx.add.f32.msk vm1, v17;
	v11 =	vadd.f32 v24, v11  }
0x170: {  	(erf) = vpow2.f32 v20;
	[tilespmem:v6+s20+$0x0] =	vst.idx.add.f32.msk vm2, v10;
	v10 =	vmul.f32 v15, v10;
	v13 =	vpop (erf);
	v5 =	vmov v18  }
0x171: {  	vm0 =	vne.s32 v21, v7;
	v7 =	vmul.f32 $1.442695020e+00, v5;
	[tilespmem:v6+s21+$0x0] =	vst.idx.add.f32.msk vm2, v12;
	v6 =	vmul.f32 v15, v12  }
0x172: {  	v11 =	vadd.f32 v9, v11;
	v18 =	vsel vm0, $0x0, v1;
	[tilespmem:v2+s21+$0x0] =	vst.idx.add.f32.msk vm1, v14;
	v15 =	vadd.f32 v10, v13  }
0x173: {  	s1 =	sor.u32 $0xB0, s1;
	v2 =	vmov v21;
	v14 =	vld [tilespmem:s26+$0x8000];
	v13 =	vadd.f32 v6, v16  }
.Ltmp16:
0x174: {  	v9 =	vld [tilespmem:s1+$0x0];
	(erf) = vpow2.f32 v19;
	(pc) =	sbr.rel @p1 .LBB2_34-.Ltmp16, $4  }
0x175: {  	v10 =	vld [tilespmem:s0+$0x10000]  }
0x176: {  	v6 =	vld [tilespmem:s29+$0x10000]  }
0x177: {  	v12 =	vld [tilespmem:s0+$0x8000];
	(erf) = vpow2.f32 v7  }
0x178: {  	p0 =	por !p0, !p0;
	v17 =	vmul.f32 v18, v15;
	v16 =	vmul.f32 v18, v13;
	v7 =	vld [tilespmem:s1+$0x10000]  }
0x179: {  	_ = 	snop  }
0x17a: {  	v18 =	vpop (erf)  }
0x17b: {  	v19 =	vmul.f32 $1.442695020e+00, v9;
	v17 =	vadd.f32 v17, v18;
	vm1 =	vne.s32 v10, v2  }
0x17c: {  	v16 =	vadd.f32 v16, v14;
	v48 =	vsel vm1, $0x0, v1  }
0x17d: {  	(erf) = vpow2.f32 v19;
	v49 =	vmul.f32 v48, v17  }
0x17e: {  	[tilespmem:v4+s20+$0x0] =	vst.idx.add.f32.msk vm0, v15;
	vm2 =	vne.s32 v6, v10;
	v50 =	vmul.f32 v48, v16;
	v51 =	vpop (erf)  }
0x17f: {  	v52 =	vld [tilespmem:s29+$0x8000];
	v18 =	vadd.f32 v49, v51  }
0x180: {  	v8 =	vmul.f32 v14, v8;
	v55 =	vld [tilespmem:s1+$0x8000];
	v54 =	vsel vm2, $0x0, v1;
	v53 =	vadd.f32 v50, v12  }
0x181: {  	[tilespmem:v4+s21+$0x0] =	vst.idx.add.f32.msk vm0, v13;
	vm15 =	vne.s32 v7, v6;
	v19 =	vmul.f32 v54, v18  }
0x182: {  	v8 =	vadd.f32 v8, v11;
	v3 =	vmul.f32 v12, v3;
	v56 =	vmul.f32 v54, v53;
	v57 =	vpop (erf)  }
0x183: {  	[tilespmem:v2+s20+$0x0] =	vst.idx.add.f32.msk vm1, v17;
	v12 =	vadd.f32 v19, v57  }
0x184: {  	v3 =	vadd.f32 v3, v8;
	v59 =	vsel vm15, $0x0, v1;
	[tilespmem:v10+s20+$0x0] =	vst.idx.add.f32.msk vm2, v18;
	v58 =	vadd.f32 v56, v52  }
0x185: {  	v5 =	vmul.f32 v52, v5;
	[tilespmem:v2+s21+$0x0] =	vst.idx.add.f32.msk vm1, v16;
	v60 =	vmul.f32 v59, v12  }
0x186: {  	v61 =	vmul.f32 v55, v9;
	[tilespmem:v10+s21+$0x0] =	vst.idx.add.f32.msk vm2, v53;
	v62 =	vpop (erf);
	v8 =	vmul.f32 v59, v58  }
0x187: {  	v3 =	vadd.f32 v5, v3;
	[tilespmem:v6+s20+$0x0] =	vst.idx.add.f32.msk vm15, v12;
	v63 =	vadd.f32 v60, v62  }
0x188: {  	[tilespmem:v6+s21+$0x0] =	vst.idx.add.f32.msk vm15, v58;
	v2 =	vadd.f32 v8, v55  }
0x189: {  	v3 =	vadd.f32 v61, v3;
	[tilespmem:v7+s20+$0x0] =	vst.idx.add.f32.msk $0xffff, v63  }
0x18a: {  	[tilespmem:v7+s21+$0x0] =	vst.idx.add.f32.msk $0xffff, v2  }
0x18b: {  	[tilespmem:$0x1C000] =	vst v3  }
0x18c: {  	[hbm4b:s15+s23] =	stream.strided.scatter [tilespmem:s20], [sflag:$0x3], $0x2000, s24, s23, $0x38;
	[tilespmem:$0x1C080] =	vst v63  }
0x18d: {  	_ =	swait.ge [sflag:s25], $0x2000  }
0x18e: {  	[sflag:s25] =	ssyncset.done $0x0  }
0x18f: {  	[sflag:s25] =	ssyncadd.s32 $0xFFFFE000  }
0x190: {  	[hbm4b:s16+s23] =	stream.strided.scatter [tilespmem:s21], [sflag:$0x3], $0x2000, s24, s23, $0x38;
	[tilespmem:$0x1C080] =	vst v63  }
0x191: {  	s28 =	sadd.s32 $0x1, s28;
	_ =	swait.ge [sflag:s25], $0x2000  }
0x192: {  	p0 =	sne.s32 s28, s18;
	[sflag:s25] =	ssyncset.done $0x0  }
.Ltmp17:
0x193: {  	s0 =	simm.s32 $0x1C000;
	[sflag:s25] =	ssyncadd.s32 $0xFFFFE000;
	(pc) =	sbr.rel @p0 .LBB2_1-.Ltmp17, $4  }
0x194: {  	[hbm4b:s17+s2] =	stream.linear.scatter [tilespmem:s0], [sflag:$0x3], $0x80, $0x38;
	[tilespmem:$0x1C080] =	vst v63  }
0x195: {  	_ =	swait.ge [sflag:s25], $0x80  }
0x196: {  	[sflag:s25] =	ssyncset.done $0x0  }
0x197: {  	[sflag:s25] =	ssyncadd.s32 $0xFFFFFF80  }
0x198: {  	_ =	sfence.sel $0x180000  }
0x199: {  	[bflag:$0x0] =	sbarrier.arrive $0xFFFF  }
0x19a: {  	_ =	strace $0x90000047  }
0x19b: {  	s0 =	stileid.u32;
	[bflag:$0x2] =	sbarrier.arrive $0xFFFF  }
0x19c: {  	p0 =	sne.s32 s0, $0x0;
	s0 =	rddreg [dreg:$0x4]  }
0x19d: {  	s0 =	sadd.s32 @!p0 $0x100000, s0  }
0x19e: {  	[sflag:s0] =	ssyncadd.tile.s32 @!p0 $0x1;
	_ =	shalt  }
.Lfunc_end2:
_tile_overlayer_lowered:
.L_overlay_start_2:
0x19f: {  	(tag) =	ssettag $0x2  }
0x1a0: {  	s0 =	rddreg [dreg:$0x0];
	s2 =	stileid.u32  }
0x1a1: {  	s1 =	rddreg [dreg:$0x1];
	p0 =	sne.s32 s2, $0x0  }
0x1a2: {  	s3 =	rddreg [dreg:$0x2];
	[bflag:$0x3] =	sbarrier.arrive $0xFFFF;
	s2 =	simm.s32 @!p0 $0x1C03  }
0x1a3: {  	[timem:s3], [sflag:s2] =	dma.local @!p0 [hbm:s0], s1  }
0x1a4: {  	s0 =	simm.s32 @!p0 $0x3  }
0x1a5: {  	_ =	swait.ge @!p0 [sflag:s0], s1  }
0x1a6: {  	s1 =	ssub.s32 @!p0 $0x0, s1;
	[sflag:s0] =	ssyncset.done @!p0 $0x0  }
0x1a7: {  	[sflag:s0] =	ssyncadd.s32 @!p0 s1  }
0x1a8: {  	[bflag:$0x3] =	sbarrier.arrive $0xFFFF  }
0x1a9: {  	_ =	shalt  }

</sc_bundles>
